<compile_context>
chip_gen: v7x
topology: tpu7x:2x2x1
jax: 0.10.2.dev20260603
libtpu: 0.0.44.dev20260713+nightly
codegen_flags: <defaults>
</compile_context>

<pallas_src>
import jax
import jax.numpy as jnp
from jax.experimental import pallas as pl
from jax.experimental.pallas import tpu as pltpu

LEAK = 0.1
FEAT_NEI = 16
FLOW_NEI = 32
NPOINTS = [128, 32, 8]
INF = float('inf')
_HI = jax.lax.Precision.HIGHEST


def _leaky(x):
    return jnp.where(x >= 0, x, LEAK * x)


def _group_norm(x, gamma, beta, groups=4, eps=1e-5):
    B, N, C = x.shape
    xg = x.reshape(B, N, groups, C // groups)
    mean = xg.mean(axis=(1, 3), keepdims=True)
    var = xg.var(axis=(1, 3), keepdims=True)
    xg = (xg - mean) / jnp.sqrt(var + eps)
    return xg.reshape(B, N, C) * gamma + beta


def _conv_block(x, p):
    y = x @ p['W'].T + p['b']
    y = _group_norm(y, p['gamma'], p['beta'])
    return _leaky(y)


def _linear_leaky(x, p):
    return _leaky(x @ p['W'].T + p['b'])


def _knn(query, ref, k):
    d2 = (jnp.sum(query ** 2, -1, keepdims=True)
          + jnp.sum(ref ** 2, -1)[:, None, :]
          - 2.0 * jnp.einsum('bmd,bnd->bmn', query, ref))
    negd, idx = jax.lax.top_k(-d2, k)
    return idx, -negd


def _gather_points(x, idx):
    return jax.vmap(lambda xi, ii: xi[ii])(x, idx)


def _upsample(dense_pc, sparse_pc, sparse_feat):
    idx, d2 = _knn(dense_pc, sparse_pc, 3)
    w = 1.0 / (d2 + 1e-8)
    w = w / jnp.sum(w, axis=-1, keepdims=True)
    nb = _gather_points(sparse_feat, idx)
    return jnp.sum(nb * w[..., None], axis=2)


def _point_warping_small(pc1, pc2, flow):
    warped1 = pc1 + flow
    idx, d2 = _knn(pc2, warped1, 3)
    w = 1.0 / (d2 + 1e-8)
    w = w / jnp.sum(w, axis=-1, keepdims=True)
    nb_flow = _gather_points(flow, idx)
    return pc2 - jnp.sum(nb_flow * w[..., None], axis=2)


def _point_conv_flow(pc1, pc2, feat1, feat2, ps):
    idx, _ = _knn(pc1, pc2, FLOW_NEI)
    nb_pc2 = _gather_points(pc2, idx)
    nb_f2 = _gather_points(feat2, idx)
    rel = nb_pc2 - pc1[:, :, None, :]
    f1 = jnp.broadcast_to(feat1[:, :, None, :], nb_f2.shape[:3] + (feat1.shape[-1],))
    g = jnp.concatenate([f1, nb_f2, rel], axis=-1)
    for p in ps:
        g = _linear_leaky(g, p)
    return jnp.max(g, axis=2)


def _mm(a, b):
    return jax.lax.dot_general(a, b, (((1,), (0,)), ((), ())),
                               precision=_HI,
                               preferred_element_type=jnp.float32)


def _mmt(a, b):
    return jax.lax.dot_general(a, b, (((1,), (1,)), ((), ())),
                               precision=_HI,
                               preferred_element_type=jnp.float32)


def _ref_d2(q, r):
    return (jnp.sum(q ** 2, -1, keepdims=True)
            + jnp.sum(r ** 2, -1)[:, None, :]
            - 2.0 * jnp.einsum('bmd,bnd->bmn', q, r))


def _extract_min(s):
    vmin = jnp.min(s, axis=1, keepdims=True)
    iota = jax.lax.broadcasted_iota(jnp.int32, s.shape, 1)
    imin = jnp.min(jnp.where(s <= vmin, iota, s.shape[1]), axis=1,
                   keepdims=True)
    m = iota == imin
    return vmin, m



def _costvol_body(d2_ref, q_ref, f1_ref, t2_ref, a1t_ref, c1t_ref,
                  b1_ref, w2t_ref, b2_ref, out_ref, s_ref, base_ref):
    s_ref[...] = d2_ref[...]
    t2 = t2_ref[0]
    base_ref[...] = (_mm(f1_ref[...], a1t_ref[...])
                     - _mm(q_ref[...], c1t_ref[...]) + b1_ref[...])
    out_ref[...] = jnp.full(out_ref.shape, -INF, jnp.float32)

    def step(_, carry):
        s = s_ref[...]
        _, m = _extract_min(s)
        s_ref[...] = jnp.where(m, INF, s)
        g = _mm(m.astype(jnp.float32), t2)
        z = _leaky(base_ref[...] + g)
        h = _leaky(_mm(z, w2t_ref[...]) + b2_ref[...])
        out_ref[...] = jnp.maximum(out_ref[...], h)
        return carry

    jax.lax.fori_loop(0, FLOW_NEI, step, 0)


def _costvol_l0(pc1, pc2, f1, t2, p1, p2, interpret=False):
    B, N, _ = pc1.shape
    TQ = 256
    QT = N // TQ
    d2 = _ref_d2(pc1, pc2).reshape(B * N, N)
    q = pc1.reshape(B * N, 3)
    f1r = f1.reshape(B * N, -1)
    a1t = p1['W'][:, :128].T
    c1t = p1['W'][:, 256:259].T
    b1 = p1['b'].reshape(1, -1)
    w2t = p2['W'].T
    b2 = p2['b'].reshape(1, -1)
    out = pl.pallas_call(
        _costvol_body,
        grid=(B, QT),
        in_specs=[
            pl.BlockSpec((TQ, N), lambda b, t: (b * QT + t, 0)),
            pl.BlockSpec((TQ, 3), lambda b, t: (b * QT + t, 0)),
            pl.BlockSpec((TQ, 128), lambda b, t: (b * QT + t, 0)),
            pl.BlockSpec((1, N, 64), lambda b, t: (b, 0, 0)),
            pl.BlockSpec((128, 64), lambda b, t: (0, 0)),
            pl.BlockSpec((3, 64), lambda b, t: (0, 0)),
            pl.BlockSpec((1, 64), lambda b, t: (0, 0)),
            pl.BlockSpec((64, 64), lambda b, t: (0, 0)),
            pl.BlockSpec((1, 64), lambda b, t: (0, 0)),
        ],
        out_specs=pl.BlockSpec((TQ, 64), lambda b, t: (b * QT + t, 0)),
        out_shape=jax.ShapeDtypeStruct((B * N, 64), jnp.float32),
        scratch_shapes=[pltpu.VMEM((TQ, N), jnp.float32),
                        pltpu.VMEM((TQ, 64), jnp.float32)],
        interpret=interpret,
    )(d2, q, f1r, t2, a1t, c1t, b1, w2t, b2)
    return out.reshape(B, N, 64)



def _warp_body(d2_ref, idx_ref, val_ref, s_ref, iacc_ref, vacc_ref):
    s_ref[...] = d2_ref[...]
    lane = jax.lax.broadcasted_iota(jnp.int32, iacc_ref.shape, 1)

    def step(j, carry):
        s = s_ref[...]
        vmin = jnp.min(s, axis=1, keepdims=True)
        iota = jax.lax.broadcasted_iota(jnp.int32, s.shape, 1)
        imin = jnp.min(jnp.where(s <= vmin, iota, s.shape[1]), axis=1,
                       keepdims=True)
        s_ref[...] = jnp.where(iota == imin, INF, s)
        iacc_ref[...] = jnp.where(lane == j, imin, iacc_ref[...])
        vacc_ref[...] = jnp.where(lane == j, vmin, vacc_ref[...])
        return carry

    jax.lax.fori_loop(0, 3, step, 0)
    idx_ref[...] = iacc_ref[...]
    val_ref[...] = vacc_ref[...]


def _point_warping_l0(pc1, pc2, flow, interpret=False):
    B, N, _ = pc1.shape
    TQ = 256
    QT = N // TQ
    warped = pc1 + flow
    d2m = _ref_d2(pc2, warped).reshape(B * N, N)
    idx, d2v = pl.pallas_call(
        _warp_body,
        grid=(B, QT),
        in_specs=[pl.BlockSpec((TQ, N), lambda b, t: (b * QT + t, 0))],
        out_specs=[pl.BlockSpec((TQ, 3), lambda b, t: (b * QT + t, 0)),
                   pl.BlockSpec((TQ, 3), lambda b, t: (b * QT + t, 0))],
        out_shape=[jax.ShapeDtypeStruct((B * N, 3), jnp.int32),
                   jax.ShapeDtypeStruct((B * N, 3), jnp.float32)],
        scratch_shapes=[pltpu.VMEM((TQ, N), jnp.float32),
                        pltpu.VMEM((TQ, 3), jnp.int32),
                        pltpu.VMEM((TQ, 3), jnp.float32)],
        interpret=interpret,
    )(d2m)
    idx = idx.reshape(B, N, 3)
    d2v = d2v.reshape(B, N, 3)
    w = 1.0 / (d2v + 1e-8)
    w = w / jnp.sum(w, axis=-1, keepdims=True)
    nb_flow = _gather_points(flow, idx)
    return pc2 - jnp.sum(nb_flow * w[..., None], axis=2)



def _pcd_body(d2_ref, idx_ref, s_ref, acc_ref):
    s_ref[...] = d2_ref[0]
    lane = jax.lax.broadcasted_iota(jnp.int32, acc_ref.shape, 1)

    def step(j, carry):
        s = s_ref[...]
        vmin = jnp.min(s, axis=1, keepdims=True)
        iota = jax.lax.broadcasted_iota(jnp.int32, s.shape, 1)
        imin = jnp.min(jnp.where(s <= vmin, iota, s.shape[1]), axis=1,
                       keepdims=True)
        s_ref[...] = jnp.where(iota == imin, INF, s)
        acc_ref[...] = jnp.where(lane == j, imin, acc_ref[...])
        return carry

    jax.lax.fori_loop(0, FEAT_NEI, step, 0)
    idx_ref[0] = acc_ref[...]


def _point_conv_d_l0(pc, feat, npoint, p, interpret=False):
    B, N, _ = pc.shape
    stride = N // npoint
    fps = jnp.arange(npoint, dtype=jnp.int32) * stride
    new_pc = jnp.take(pc, fps, axis=1)
    d2 = _ref_d2(new_pc, pc)
    idx = pl.pallas_call(
        _pcd_body,
        grid=(B,),
        in_specs=[pl.BlockSpec((1, npoint, N), lambda b: (b, 0, 0))],
        out_specs=pl.BlockSpec((1, npoint, FEAT_NEI), lambda b: (b, 0, 0)),
        out_shape=jax.ShapeDtypeStruct((B, npoint, FEAT_NEI), jnp.int32),
        scratch_shapes=[pltpu.VMEM((npoint, N), jnp.float32),
                        pltpu.VMEM((npoint, FEAT_NEI), jnp.int32)],
        interpret=interpret,
    )(d2)
    nb_pc = _gather_points(pc, idx)
    nb_feat = _gather_points(feat, idx)
    rel = nb_pc - new_pc[:, :, None, :]
    g = jnp.concatenate([nb_feat, rel], axis=-1)
    g = _linear_leaky(g, p)
    return new_pc, jnp.max(g, axis=2)


def _point_conv_d_small(pc, feat, npoint, p):
    B, N, _ = pc.shape
    stride = N // npoint
    fps = jnp.arange(npoint, dtype=jnp.int32) * stride
    new_pc = jnp.take(pc, fps, axis=1)
    idx, _ = _knn(new_pc, pc, FEAT_NEI)
    nb_pc = _gather_points(pc, idx)
    nb_feat = _gather_points(feat, idx)
    rel = nb_pc - new_pc[:, :, None, :]
    g = jnp.concatenate([nb_feat, rel], axis=-1)
    g = _linear_leaky(g, p)
    return new_pc, jnp.max(g, axis=2)



def _flow_mlp_body(x_ref, w0, b0, w1, b1, w2, b2, w3, b3, w4, b4,
                   feat_ref, flow_ref):
    h = x_ref[...]
    h = _leaky(_mmt(h, w0[...]) + b0[...])
    h = _leaky(_mmt(h, w1[...]) + b1[...])
    h = _leaky(_mmt(h, w2[...]) + b2[...])
    h = _leaky(_mmt(h, w3[...]) + b3[...])
    feat_ref[...] = h
    flow_ref[...] = _mmt(h, w4[...]) + b4[...]


def _flow_mlp_l0(x, ps, interpret=False):
    B, N, C = x.shape
    x2 = x.reshape(B * N, C)
    M = B * N
    TM = 1024
    args = []
    for p in ps:
        args.append(p['W'])
        args.append(p['b'].reshape(1, -1))
    wspecs = [pl.BlockSpec(a.shape, lambda i: (0, 0)) for a in args]
    feat, flow = pl.pallas_call(
        _flow_mlp_body,
        grid=(M // TM,),
        in_specs=[pl.BlockSpec((TM, C), lambda i: (i, 0))] + wspecs,
        out_specs=[pl.BlockSpec((TM, 128), lambda i: (i, 0)),
                   pl.BlockSpec((TM, 3), lambda i: (i, 0))],
        out_shape=[jax.ShapeDtypeStruct((M, 128), jnp.float32),
                   jax.ShapeDtypeStruct((M, 3), jnp.float32)],
        interpret=interpret,
    )(x2, *args)
    return feat.reshape(B, N, 128), flow.reshape(B, N, 3)



def _forward_feature(xyz, color, params, interpret=False):
    pc_l = [xyz]
    f = _conv_block(color, params['init_fc'][0])
    f = _conv_block(f, params['init_fc'][1])
    feat_l = [f]
    for l in range(3):
        fij = feat_l[-1]
        for p in params['feat_ijs'][l]:
            fij = _conv_block(fij, p)
        if l == 0:
            pc_new, feat_new = _point_conv_d_l0(pc_l[-1], fij, NPOINTS[l],
                                                params['subsample'][l],
                                                interpret=interpret)
        else:
            pc_new, feat_new = _point_conv_d_small(pc_l[-1], fij, NPOINTS[l],
                                                   params['subsample'][l])
        pc_l.append(pc_new)
        feat_l.append(feat_new)
    c_feat_l = [None, None, None]
    for l in range(2, -1, -1):
        fji = _upsample(pc_l[l], pc_l[l + 1], feat_l[l + 1])
        fji = _conv_block(fji, params['up_deconv'][l])
        c_feat_l[l] = jnp.concatenate([feat_l[l], fji], axis=-1)
    return c_feat_l, feat_l[:3], pc_l[:3]


def _flownet(xyz1, xyz2, color1, color2, params, interpret=False):
    cf1, lf1, pp1 = _forward_feature(xyz1, color1, params, interpret=interpret)
    cf2, lf2, pp2 = _forward_feature(xyz2, color2, params, interpret=interpret)

    pc_warped = pp2[2]
    new_feat = lf1[2]
    up_flow = None
    flows = [None, None, None]
    for l in [2, 1]:
        cost = _point_conv_flow(pp1[l], pc_warped, cf1[l], cf2[l], params['cv'][l])
        xs = [new_feat, cost] + ([up_flow] if up_flow is not None else [])
        x = jnp.concatenate(xs, axis=-1)
        for p in params['flow'][l][:-1]:
            x = _linear_leaky(x, p)
        feat, flow = x, x @ params['flow'][l][-1]['W'].T + params['flow'][l][-1]['b']
        flows[l] = flow
        up_flow = _upsample(pp1[l - 1], pp1[l], flow)
        if l == 1:
            pc_warped = _point_warping_l0(pp1[0], pp2[0], up_flow,
                                          interpret=interpret)
        else:
            pc_warped = _point_warping_small(pp1[l - 1], pp2[l - 1], up_flow)
        feat_up = _upsample(pp1[l - 1], pp1[l], feat)
        new_feat = jnp.concatenate([lf1[l - 1], feat_up], axis=-1)

    p1, p2 = params['cv'][0]
    b1t = p1['W'][:, 128:256].T
    c1t = p1['W'][:, 256:259].T
    t2 = (jnp.einsum('bnc,cd->bnd', cf2[0], b1t, precision=_HI)
          + jnp.einsum('bnc,cd->bnd', pc_warped, c1t, precision=_HI))
    cost = _costvol_l0(pp1[0], pc_warped, cf1[0], t2, p1, p2,
                       interpret=interpret)
    x = jnp.concatenate([new_feat, cost, up_flow], axis=-1)
    feat, flow = _flow_mlp_l0(x, params['flow'][0], interpret=interpret)
    flows[0] = flow
    return (flows[0].transpose(0, 2, 1), flows[1].transpose(0, 2, 1),
            flows[2].transpose(0, 2, 1))


def kernel(xyz1, xyz2, color1, color2, params):
    return _flownet(xyz1, xyz2, color1, color2, params)

# --- scband reference (transcript-rebuilt; emitter-appended) ---
"""Pipeline reference for scband-flow-net-55327768708603 (READ-ONLY COPY).

The authoritative reference and input builder live on the scoring server;
editing this copy changes nothing except your own understanding.
"""

import jax, jax.numpy as jnp
import numpy as np

LEAK = 0.1
FEAT_NEI = 16
FLOW_NEI = 32
NPOINTS = [128, 32, 8]

def leaky(x):
    return jnp.where(x >= 0, x, LEAK * x)

def group_norm(x, gamma, beta, groups=4, eps=1e-5):
    B, N, C = x.shape
    xg = x.reshape(B, N, groups, C // groups)
    mean = xg.mean(axis=(1, 3), keepdims=True)
    var = xg.var(axis=(1, 3), keepdims=True)
    xg = (xg - mean) / jnp.sqrt(var + eps)
    return xg.reshape(B, N, C) * gamma + beta

def conv_block(x, p):
    y = x @ p['W'].T + p['b']
    y = group_norm(y, p['gamma'], p['beta'])
    return leaky(y)

def linear_leaky(x, p):
    return leaky(x @ p['W'].T + p['b'])

def knn(query, ref, k):
    d2 = (jnp.sum(query ** 2, -1, keepdims=True)
          + jnp.sum(ref ** 2, -1)[:, None, :]
          - 2.0 * jnp.einsum('bmd,bnd->bmn', query, ref))
    negd, idx = jax.lax.top_k(-d2, k)
    return idx, -negd

def gather_points(x, idx):
    return jax.vmap(lambda xi, ii: xi[ii])(x, idx)

def point_conv_d(pc, feat, npoint, p):
    B, N, _ = pc.shape
    stride = N // npoint
    fps = jnp.arange(npoint, dtype=jnp.int32) * stride
    fps_idx = jnp.broadcast_to(fps[None, :], (B, npoint))
    new_pc = jnp.take(pc, fps, axis=1)
    idx, _ = knn(new_pc, pc, FEAT_NEI)
    nb_pc = gather_points(pc, idx)
    nb_feat = gather_points(feat, idx)
    rel = nb_pc - new_pc[:, :, None, :]
    g = jnp.concatenate([nb_feat, rel], axis=-1)
    g = linear_leaky(g, p)
    return new_pc, jnp.max(g, axis=2), fps_idx

def upsample_flow(dense_pc, sparse_pc, sparse_feat):
    idx, d2 = knn(dense_pc, sparse_pc, 3)
    w = 1.0 / (d2 + 1e-8)
    w = w / jnp.sum(w, axis=-1, keepdims=True)
    nb = gather_points(sparse_feat, idx)
    return jnp.sum(nb * w[..., None], axis=2)

def point_warping(pc1, pc2, flow):
    warped1 = pc1 + flow
    idx, d2 = knn(pc2, warped1, 3)
    w = 1.0 / (d2 + 1e-8)
    w = w / jnp.sum(w, axis=-1, keepdims=True)
    nb_flow = gather_points(flow, idx)
    return pc2 - jnp.sum(nb_flow * w[..., None], axis=2)

def point_conv_flow(pc1, pc2, feat1, feat2, ps):
    idx, _ = knn(pc1, pc2, FLOW_NEI)
    nb_pc2 = gather_points(pc2, idx)
    nb_f2 = gather_points(feat2, idx)
    rel = nb_pc2 - pc1[:, :, None, :]
    f1 = jnp.broadcast_to(feat1[:, :, None, :], nb_f2.shape[:3] + (feat1.shape[-1],))
    g = jnp.concatenate([f1, nb_f2, rel], axis=-1)
    for p in ps:
        g = linear_leaky(g, p)
    return jnp.max(g, axis=2)

def scene_flow_estimator(feat, cost, up_flow, ps):
    xs = [feat, cost] + ([up_flow] if up_flow is not None else [])
    x = jnp.concatenate(xs, axis=-1)
    for p in ps[:-1]:
        x = linear_leaky(x, p)
    flow = x @ ps[-1]['W'].T + ps[-1]['b']
    return x, flow

def forward_feature(xyz, color, params):
    pc_l = [xyz]
    f = conv_block(color, params['init_fc'][0])
    f = conv_block(f, params['init_fc'][1])
    feat_l = [f]
    fps_l = [None]
    for l in range(3):
        fij = feat_l[-1]
        for p in params['feat_ijs'][l]:
            fij = conv_block(fij, p)
        pc_new, feat_new, fps_new = point_conv_d(pc_l[-1], fij, NPOINTS[l], params['subsample'][l])
        pc_l.append(pc_new)
        feat_l.append(feat_new)
        if fps_l[-1] is not None:
            fps_l.append(jnp.take_along_axis(fps_l[-1], fps_new, axis=-1))
        else:
            fps_l.append(fps_new)
    c_feat_l = [None, None, None]
    for l in range(2, -1, -1):
        fji = upsample_flow(pc_l[l], pc_l[l + 1], feat_l[l + 1])
        fji = conv_block(fji, params['up_deconv'][l])
        c_feat_l[l] = jnp.concatenate([feat_l[l], fji], axis=-1)
    return c_feat_l, feat_l[:3], pc_l[:3], fps_l[:3]

def flownet_forward(xyz1, xyz2, color1, color2, params):
    cf1, lf1, pp1, _ = forward_feature(xyz1, color1, params)
    cf2, lf2, pp2, _ = forward_feature(xyz2, color2, params)
    pc_warped = pp2[2]
    new_feat = lf1[2]
    up_flow = None
    flows = [None, None, None]
    for l in range(2, -1, -1):
        cost = point_conv_flow(pp1[l], pc_warped, cf1[l], cf2[l], params['cv'][l])
        feat, flow = scene_flow_estimator(new_feat, cost, up_flow, params['flow'][l])
        flows[l] = flow
        if l > 0:
            up_flow = upsample_flow(pp1[l - 1], pp1[l], flow)
            pc_warped = point_warping(pp1[l - 1], pp2[l - 1], up_flow)
            feat_up = upsample_flow(pp1[l - 1], pp1[l], feat)
            new_feat = jnp.concatenate([lf1[l - 1], feat_up], axis=-1)
    return (flows[0].transpose(0, 2, 1), flows[1].transpose(0, 2, 1), flows[2].transpose(0, 2, 1))

def _conv_p(key, cin, cout):
    return {'W': jax.random.normal(key, (cout, cin), dtype=jnp.float32) * 0.02,
            'b': jnp.zeros((cout,), jnp.float32),
            'gamma': jnp.ones((cout,), jnp.float32),
            'beta': jnp.zeros((cout,), jnp.float32)}

def _lin_p(key, cin, cout):
    return {'W': jax.random.normal(key, (cout, cin), dtype=jnp.float32) * 0.02,
            'b': jnp.zeros((cout,), jnp.float32)}

def make_params(key):
    it = iter(jax.random.split(key, 40))
    P = {}
    P['init_fc'] = [_conv_p(next(it), 3, 64), _conv_p(next(it), 64, 64)]
    P['feat_ijs'] = [[_conv_p(next(it), 64, 128)],
                     [_conv_p(next(it), 128, 128), _conv_p(next(it), 128, 256)],
                     [_conv_p(next(it), 256, 256), _conv_p(next(it), 256, 512)]]
    P['subsample'] = [_lin_p(next(it), 131, 128), _lin_p(next(it), 259, 256), _lin_p(next(it), 515, 512)]
    P['up_deconv'] = [_conv_p(next(it), 128, 64), _conv_p(next(it), 256, 64), _conv_p(next(it), 512, 128)]
    P['cv'] = [[_lin_p(next(it), 259, 64), _lin_p(next(it), 64, 64)],
               [_lin_p(next(it), 387, 128), _lin_p(next(it), 128, 128)],
               [_lin_p(next(it), 771, 256), _lin_p(next(it), 256, 256)]]
    P['flow'] = []
    for cin in [259, 387, 512]:
        P['flow'].append([_lin_p(next(it), cin, 256), _lin_p(next(it), 256, 256),
                          _lin_p(next(it), 256, 256), _lin_p(next(it), 256, 128),
                          _lin_p(next(it), 128, 3)])
    return P

def setup_inputs(seed: int = 0):
    key = jax.random.key(seed)
    k1, k2, k3, k4, k5 = jax.random.split(key, 5)
    B, N = 2, 4096
    return {'xyz1': jax.random.normal(k1, (B, N, 3), dtype=jnp.float32),
            'xyz2': jax.random.normal(k2, (B, N, 3), dtype=jnp.float32),
            'color1': jax.random.normal(k3, (B, N, 3), dtype=jnp.float32),
            'color2': jax.random.normal(k4, (B, N, 3), dtype=jnp.float32),
            'params': make_params(k5)}

def reference(xyz1, xyz2, color1, color2, params):
    return flownet_forward(xyz1, xyz2, color1, color2, params)

if __name__ == "__main__":
    import jax
    _d = setup_inputs()
    print(jax.jit(kernel)(*tuple(_d.values())))

</pallas_src>

<mosaic_0001>
module attributes {stable_mosaic.version = 14 : i64} {
  func.func @_pcd_body(%arg0: i32, %arg1: memref<1x128x4096xf32, #tpu.memory_space<vmem>>, %arg2: memref<1x128x16xi32, #tpu.memory_space<vmem>>, %arg3: memref<128x4096xf32, #tpu.memory_space<vmem>>, %arg4: memref<128x16xi32, #tpu.memory_space<vmem>>) attributes {dimension_semantics = [#tpu.dimension_semantics<arbitrary>], iteration_bounds = array<i64: 2>, scalar_prefetch = 0 : i64, scratch_operands = 2 : i64, tpu.core_type = #tpu.core_type<tc>, window_params = [{transform_indices = @transform_0, window_bounds = array<i64: 1, 128, 4096>}, {transform_indices = @transform_1, window_bounds = array<i64: 1, 128, 16>}]} {
    %get3A = arith.constant 0 : index
    %get3A_0 = arith.constant 0 : index
    %get3A_1 = arith.constant 0 : index
    %get3A_2 = vector.load %arg1[%get3A, %get3A_0, %get3A_1] : memref<1x128x4096xf32, #tpu.memory_space<vmem>>, vector<1x128x4096xf32>
    %get3A_3 = vector.shape_cast %get3A_2 : vector<1x128x4096xf32> to vector<128x4096xf32>
    %swap3A = arith.constant 0 : index
    %swap3A_4 = arith.constant 0 : index
    %swap3A_5 = vector.load %arg3[%swap3A, %swap3A_4] : memref<128x4096xf32, #tpu.memory_space<vmem>>, vector<128x4096xf32>
    tpu.vector_store %arg3[%swap3A, %swap3A_4], %get3A_3 {strides = array<i32>} : memref<128x4096xf32, #tpu.memory_space<vmem>>, vector<128x4096xf32>,
    %iota3A = tpu.iota {dimensions = array<i32: 1>} : vector<128x16xi32>
    %scan3A = arith.constant 0 : i32
    %scan3A_6 = arith.constant 16 : i32
    %scan3A_7 = arith.addi %scan3A, %scan3A_6 : i32
    %scan3A_8 = arith.constant 1 : i32
    scf.for %scan3A_19 = %scan3A to %scan3A_7 step %scan3A_8  : i32 {
      %get3A_20 = arith.constant 0 : index
      %get3A_21 = arith.constant 0 : index
      %get3A_22 = vector.load %arg3[%get3A_20, %get3A_21] : memref<128x4096xf32, #tpu.memory_space<vmem>>, vector<128x4096xf32>
      %reduce_min3A = arith.constant dense<0x7F800000> : vector<128xf32>
      %reduce_min3A_23 = vector.multi_reduction <minimumf>, %get3A_22, %reduce_min3A [1] : vector<128x4096xf32> to vector<128xf32>
      %broadcast_in_dim3A = vector.shape_cast %reduce_min3A_23 : vector<128xf32> to vector<128x1xf32>
      %iota3A_24 = tpu.iota {dimensions = array<i32: 1>} : vector<128x4096xi32>
      %le3A = vector.broadcast %broadcast_in_dim3A : vector<128x1xf32> to vector<128x4096xf32>
      %le3A_25 = arith.cmpf ole, %get3A_22, %le3A : vector<128x4096xf32>
      %jit3A = arith.constant 4096 : i32
      %broadcast_in_dim3A_26 = vector.broadcast %jit3A : i32 to vector<128x4096xi32>
      %select_n3A = arith.select %le3A_25, %iota3A_24, %broadcast_in_dim3A_26 : vector<128x4096xi1>, vector<128x4096xi32>
      %reduce_min3A_27 = arith.constant dense<2147483647> : vector<128xi32>
      %reduce_min3A_28 = vector.multi_reduction <minsi>, %select_n3A, %reduce_min3A_27 [1] : vector<128x4096xi32> to vector<128xi32>
      %broadcast_in_dim3A_29 = vector.shape_cast %reduce_min3A_28 : vector<128xi32> to vector<128x1xi32>
      %eq3A = vector.broadcast %broadcast_in_dim3A_29 : vector<128x1xi32> to vector<128x4096xi32>
      %eq3A_30 = arith.cmpi eq, %iota3A_24, %eq3A : vector<128x4096xi32>
      %jit3A_31 = arith.constant 0x7F800000 : f32
      %broadcast_in_dim3A_32 = vector.broadcast %jit3A_31 : f32 to vector<128x4096xf32>
      %select_n3A_33 = arith.select %eq3A_30, %broadcast_in_dim3A_32, %get3A_22 : vector<128x4096xi1>, vector<128x4096xf32>
      %swap3A_34 = arith.constant 0 : index
      %swap3A_35 = arith.constant 0 : index
      %swap3A_36 = vector.load %arg3[%swap3A_34, %swap3A_35] : memref<128x4096xf32, #tpu.memory_space<vmem>>, vector<128x4096xf32>
      tpu.vector_store %arg3[%swap3A_34, %swap3A_35], %select_n3A_33 {strides = array<i32>} : memref<128x4096xf32, #tpu.memory_space<vmem>>, vector<128x4096xf32>,
      %eq3A_37 = vector.broadcast %scan3A_19 : i32 to vector<128x16xi32>
      %eq3A_38 = arith.cmpi eq, %iota3A, %eq3A_37 : vector<128x16xi32>
      %get3A_39 = arith.constant 0 : index
      %get3A_40 = arith.constant 0 : index
      %get3A_41 = vector.load %arg4[%get3A_39, %get3A_40] : memref<128x16xi32, #tpu.memory_space<vmem>>, vector<128x16xi32>
      %broadcast_in_dim3A_42 = vector.shape_cast %broadcast_in_dim3A_29 : vector<128x1xi32> to vector<128x1xi32>
      %broadcast_in_dim3A_43 = vector.broadcast %broadcast_in_dim3A_42 : vector<128x1xi32> to vector<128x16xi32>
      %select_n3A_44 = arith.select %eq3A_38, %broadcast_in_dim3A_43, %get3A_41 : vector<128x16xi1>, vector<128x16xi32>
      %swap3A_45 = arith.constant 0 : index
      %swap3A_46 = arith.constant 0 : index
      %swap3A_47 = vector.load %arg4[%swap3A_45, %swap3A_46] : memref<128x16xi32, #tpu.memory_space<vmem>>, vector<128x16xi32>
      tpu.vector_store %arg4[%swap3A_45, %swap3A_46], %select_n3A_44 {strides = array<i32>} : memref<128x16xi32, #tpu.memory_space<vmem>>, vector<128x16xi32>,
    }
    %scan3A_9 = arith.constant 16 : i32
    %get3A_10 = arith.constant 0 : index
    %get3A_11 = arith.constant 0 : index
    %get3A_12 = vector.load %arg4[%get3A_10, %get3A_11] : memref<128x16xi32, #tpu.memory_space<vmem>>, vector<128x16xi32>
    %swap3A_13 = arith.constant 0 : index
    %swap3A_14 = arith.constant 0 : index
    %swap3A_15 = arith.constant 0 : index
    %swap3A_16 = vector.load %arg2[%swap3A_13, %swap3A_14, %swap3A_15] : memref<1x128x16xi32, #tpu.memory_space<vmem>>, vector<1x128x16xi32>
    %swap3A_17 = vector.shape_cast %swap3A_16 : vector<1x128x16xi32> to vector<128x16xi32>
    %swap3A_18 = vector.shape_cast %get3A_12 : vector<128x16xi32> to vector<1x128x16xi32>
    tpu.vector_store %arg2[%swap3A_13, %swap3A_14, %swap3A_15], %swap3A_18 {strides = array<i32>} : memref<1x128x16xi32, #tpu.memory_space<vmem>>, vector<1x128x16xi32>,
    return
  }
  func.func @transform_0(%arg0: i32) -> (i32, i32, i32) {
    %c0_i32 = arith.constant 0 : i32
    %c0_i32_0 = arith.constant 0 : i32
    %c0_i32_1 = arith.constant 0 : i32
    return %arg0, %c0_i32, %c0_i32_0 : i32, i32, i32
  }
  func.func @transform_1(%arg0: i32) -> (i32, i32, i32) {
    %c0_i32 = arith.constant 0 : i32
    %c0_i32_0 = arith.constant 0 : i32
    %c0_i32_1 = arith.constant 0 : i32
    return %arg0, %c0_i32, %c0_i32_0 : i32, i32, i32
  }
}

module attributes {stable_mosaic.version = 14 : i64} {
  func.func @_warp_body(%arg0: i32, %arg1: i32, %arg2: memref<256x4096xf32, #tpu.memory_space<vmem>>, %arg3: memref<256x3xi32, #tpu.memory_space<vmem>>, %arg4: memref<256x3xf32, #tpu.memory_space<vmem>>, %arg5: memref<256x4096xf32, #tpu.memory_space<vmem>>, %arg6: memref<256x3xi32, #tpu.memory_space<vmem>>, %arg7: memref<256x3xf32, #tpu.memory_space<vmem>>) attributes {dimension_semantics = [#tpu.dimension_semantics<arbitrary>, #tpu.dimension_semantics<arbitrary>], iteration_bounds = array<i64: 2, 16>, scalar_prefetch = 0 : i64, scratch_operands = 3 : i64, tpu.core_type = #tpu.core_type<tc>, window_params = [{transform_indices = @transform_0, window_bounds = array<i64: 256, 4096>}, {transform_indices = @transform_1, window_bounds = array<i64: 256, 3>}, {transform_indices = @transform_2, window_bounds = array<i64: 256, 3>}]} {
    %get3A = arith.constant 0 : index
    %get3A_0 = arith.constant 0 : index
    %get3A_1 = vector.load %arg2[%get3A, %get3A_0] : memref<256x4096xf32, #tpu.memory_space<vmem>>, vector<256x4096xf32>
    %swap3A = arith.constant 0 : index
    %swap3A_2 = arith.constant 0 : index
    %swap3A_3 = vector.load %arg5[%swap3A, %swap3A_2] : memref<256x4096xf32, #tpu.memory_space<vmem>>, vector<256x4096xf32>
    tpu.vector_store %arg5[%swap3A, %swap3A_2], %get3A_1 {strides = array<i32>} : memref<256x4096xf32, #tpu.memory_space<vmem>>, vector<256x4096xf32>,
    %iota3A = tpu.iota {dimensions = array<i32: 1>} : vector<256x3xi32>
    %scan3A = arith.constant 0 : i32
    %scan3A_4 = arith.constant 3 : i32
    %scan3A_5 = arith.addi %scan3A, %scan3A_4 : i32
    %scan3A_6 = arith.constant 1 : i32
    scf.for %scan3A_20 = %scan3A to %scan3A_5 step %scan3A_6  : i32 {
      %get3A_21 = arith.constant 0 : index
      %get3A_22 = arith.constant 0 : index
      %get3A_23 = vector.load %arg5[%get3A_21, %get3A_22] : memref<256x4096xf32, #tpu.memory_space<vmem>>, vector<256x4096xf32>
      %reduce_min3A = arith.constant dense<0x7F800000> : vector<256xf32>
      %reduce_min3A_24 = vector.multi_reduction <minimumf>, %get3A_23, %reduce_min3A [1] : vector<256x4096xf32> to vector<256xf32>
      %broadcast_in_dim3A = vector.shape_cast %reduce_min3A_24 : vector<256xf32> to vector<256x1xf32>
      %iota3A_25 = tpu.iota {dimensions = array<i32: 1>} : vector<256x4096xi32>
      %le3A = vector.broadcast %broadcast_in_dim3A : vector<256x1xf32> to vector<256x4096xf32>
      %le3A_26 = arith.cmpf ole, %get3A_23, %le3A : vector<256x4096xf32>
      %jit3A = arith.constant 4096 : i32
      %broadcast_in_dim3A_27 = vector.broadcast %jit3A : i32 to vector<256x4096xi32>
      %select_n3A = arith.select %le3A_26, %iota3A_25, %broadcast_in_dim3A_27 : vector<256x4096xi1>, vector<256x4096xi32>
      %reduce_min3A_28 = arith.constant dense<2147483647> : vector<256xi32>
      %reduce_min3A_29 = vector.multi_reduction <minsi>, %select_n3A, %reduce_min3A_28 [1] : vector<256x4096xi32> to vector<256xi32>
      %broadcast_in_dim3A_30 = vector.shape_cast %reduce_min3A_29 : vector<256xi32> to vector<256x1xi32>
      %eq3A = vector.broadcast %broadcast_in_dim3A_30 : vector<256x1xi32> to vector<256x4096xi32>
      %eq3A_31 = arith.cmpi eq, %iota3A_25, %eq3A : vector<256x4096xi32>
      %jit3A_32 = arith.constant 0x7F800000 : f32
      %broadcast_in_dim3A_33 = vector.broadcast %jit3A_32 : f32 to vector<256x4096xf32>
      %select_n3A_34 = arith.select %eq3A_31, %broadcast_in_dim3A_33, %get3A_23 : vector<256x4096xi1>, vector<256x4096xf32>
      %swap3A_35 = arith.constant 0 : index
      %swap3A_36 = arith.constant 0 : index
      %swap3A_37 = vector.load %arg5[%swap3A_35, %swap3A_36] : memref<256x4096xf32, #tpu.memory_space<vmem>>, vector<256x4096xf32>
      tpu.vector_store %arg5[%swap3A_35, %swap3A_36], %select_n3A_34 {strides = array<i32>} : memref<256x4096xf32, #tpu.memory_space<vmem>>, vector<256x4096xf32>,
      %eq3A_38 = vector.broadcast %scan3A_20 : i32 to vector<256x3xi32>
      %eq3A_39 = arith.cmpi eq, %iota3A, %eq3A_38 : vector<256x3xi32>
      %get3A_40 = arith.constant 0 : index
      %get3A_41 = arith.constant 0 : index
      %get3A_42 = vector.load %arg6[%get3A_40, %get3A_41] : memref<256x3xi32, #tpu.memory_space<vmem>>, vector<256x3xi32>
      %broadcast_in_dim3A_43 = vector.shape_cast %broadcast_in_dim3A_30 : vector<256x1xi32> to vector<256x1xi32>
      %broadcast_in_dim3A_44 = vector.broadcast %broadcast_in_dim3A_43 : vector<256x1xi32> to vector<256x3xi32>
      %select_n3A_45 = arith.select %eq3A_39, %broadcast_in_dim3A_44, %get3A_42 : vector<256x3xi1>, vector<256x3xi32>
      %swap3A_46 = arith.constant 0 : index
      %swap3A_47 = arith.constant 0 : index
      %swap3A_48 = vector.load %arg6[%swap3A_46, %swap3A_47] : memref<256x3xi32, #tpu.memory_space<vmem>>, vector<256x3xi32>
      tpu.vector_store %arg6[%swap3A_46, %swap3A_47], %select_n3A_45 {strides = array<i32>} : memref<256x3xi32, #tpu.memory_space<vmem>>, vector<256x3xi32>,
      %eq3A_49 = vector.broadcast %scan3A_20 : i32 to vector<256x3xi32>
      %eq3A_50 = arith.cmpi eq, %iota3A, %eq3A_49 : vector<256x3xi32>
      %get3A_51 = arith.constant 0 : index
      %get3A_52 = arith.constant 0 : index
      %get3A_53 = vector.load %arg7[%get3A_51, %get3A_52] : memref<256x3xf32, #tpu.memory_space<vmem>>, vector<256x3xf32>
      %broadcast_in_dim3A_54 = vector.shape_cast %broadcast_in_dim3A : vector<256x1xf32> to vector<256x1xf32>
      %broadcast_in_dim3A_55 = vector.broadcast %broadcast_in_dim3A_54 : vector<256x1xf32> to vector<256x3xf32>
      %select_n3A_56 = arith.select %eq3A_50, %broadcast_in_dim3A_55, %get3A_53 : vector<256x3xi1>, vector<256x3xf32>
      %swap3A_57 = arith.constant 0 : index
      %swap3A_58 = arith.constant 0 : index
      %swap3A_59 = vector.load %arg7[%swap3A_57, %swap3A_58] : memref<256x3xf32, #tpu.memory_space<vmem>>, vector<256x3xf32>
      tpu.vector_store %arg7[%swap3A_57, %swap3A_58], %select_n3A_56 {strides = array<i32>} : memref<256x3xf32, #tpu.memory_space<vmem>>, vector<256x3xf32>,
    }
    %scan3A_7 = arith.constant 3 : i32
    %get3A_8 = arith.constant 0 : index
    %get3A_9 = arith.constant 0 : index
    %get3A_10 = vector.load %arg6[%get3A_8, %get3A_9] : memref<256x3xi32, #tpu.memory_space<vmem>>, vector<256x3xi32>
    %swap3A_11 = arith.constant 0 : index
    %swap3A_12 = arith.constant 0 : index
    %swap3A_13 = vector.load %arg3[%swap3A_11, %swap3A_12] : memref<256x3xi32, #tpu.memory_space<vmem>>, vector<256x3xi32>
    tpu.vector_store %arg3[%swap3A_11, %swap3A_12], %get3A_10 {strides = array<i32>} : memref<256x3xi32, #tpu.memory_space<vmem>>, vector<256x3xi32>,
    %get3A_14 = arith.constant 0 : index
    %get3A_15 = arith.constant 0 : index
    %get3A_16 = vector.load %arg7[%get3A_14, %get3A_15] : memref<256x3xf32, #tpu.memory_space<vmem>>, vector<256x3xf32>
    %swap3A_17 = arith.constant 0 : index
    %swap3A_18 = arith.constant 0 : index
    %swap3A_19 = vector.load %arg4[%swap3A_17, %swap3A_18] : memref<256x3xf32, #tpu.memory_space<vmem>>, vector<256x3xf32>
    tpu.vector_store %arg4[%swap3A_17, %swap3A_18], %get3A_16 {strides = array<i32>} : memref<256x3xf32, #tpu.memory_space<vmem>>, vector<256x3xf32>,
    return
  }
  func.func @transform_0(%arg0: i32, %arg1: i32) -> (i32, i32) {
    %mul3A = arith.constant 16 : i32
    %mul3A_0 = arith.muli %arg0, %mul3A : i32
    %add3A = arith.addi %mul3A_0, %arg1 : i32
    %c0_i32 = arith.constant 0 : i32
    %c0_i32_1 = arith.constant 0 : i32
    return %add3A, %c0_i32 : i32, i32
  }
  func.func @transform_1(%arg0: i32, %arg1: i32) -> (i32, i32) {
    %mul3A = arith.constant 16 : i32
    %mul3A_0 = arith.muli %arg0, %mul3A : i32
    %add3A = arith.addi %mul3A_0, %arg1 : i32
    %c0_i32 = arith.constant 0 : i32
    %c0_i32_1 = arith.constant 0 : i32
    return %add3A, %c0_i32 : i32, i32
  }
  func.func @transform_2(%arg0: i32, %arg1: i32) -> (i32, i32) {
    %mul3A = arith.constant 16 : i32
    %mul3A_0 = arith.muli %arg0, %mul3A : i32
    %add3A = arith.addi %mul3A_0, %arg1 : i32
    %c0_i32 = arith.constant 0 : i32
    %c0_i32_1 = arith.constant 0 : i32
    return %add3A, %c0_i32 : i32, i32
  }
}

module attributes {stable_mosaic.version = 14 : i64} {
  func.func @_costvol_body(%arg0: i32, %arg1: i32, %arg2: memref<256x4096xf32, #tpu.memory_space<vmem>>, %arg3: memref<256x3xf32, #tpu.memory_space<vmem>>, %arg4: memref<256x128xf32, #tpu.memory_space<vmem>>, %arg5: memref<1x4096x64xf32, #tpu.memory_space<vmem>>, %arg6: memref<128x64xf32, #tpu.memory_space<vmem>>, %arg7: memref<3x64xf32, #tpu.memory_space<vmem>>, %arg8: memref<1x64xf32, #tpu.memory_space<vmem>>, %arg9: memref<64x64xf32, #tpu.memory_space<vmem>>, %arg10: memref<1x64xf32, #tpu.memory_space<vmem>>, %arg11: memref<256x64xf32, #tpu.memory_space<vmem>>, %arg12: memref<256x4096xf32, #tpu.memory_space<vmem>>, %arg13: memref<256x64xf32, #tpu.memory_space<vmem>>) attributes {dimension_semantics = [#tpu.dimension_semantics<arbitrary>, #tpu.dimension_semantics<arbitrary>], iteration_bounds = array<i64: 2, 16>, scalar_prefetch = 0 : i64, scratch_operands = 2 : i64, tpu.core_type = #tpu.core_type<tc>, window_params = [{transform_indices = @transform_0, window_bounds = array<i64: 256, 4096>}, {transform_indices = @transform_1, window_bounds = array<i64: 256, 3>}, {transform_indices = @transform_2, window_bounds = array<i64: 256, 128>}, {transform_indices = @transform_3, window_bounds = array<i64: 1, 4096, 64>}, {pipeline_mode = #tpu.pipeline_mode<synchronous>, transform_indices = @transform_4, window_bounds = array<i64: 128, 64>}, {pipeline_mode = #tpu.pipeline_mode<synchronous>, transform_indices = @transform_5, window_bounds = array<i64: 3, 64>}, {pipeline_mode = #tpu.pipeline_mode<synchronous>, transform_indices = @transform_6, window_bounds = array<i64: 1, 64>}, {pipeline_mode = #tpu.pipeline_mode<synchronous>, transform_indices = @transform_7, window_bounds = array<i64: 64, 64>}, {pipeline_mode = #tpu.pipeline_mode<synchronous>, transform_indices = @transform_8, window_bounds = array<i64: 1, 64>}, {transform_indices = @transform_9, window_bounds = array<i64: 256, 64>}]} {
    %get3A = arith.constant 0 : index
    %get3A_0 = arith.constant 0 : index
    %get3A_1 = vector.load %arg2[%get3A, %get3A_0] : memref<256x4096xf32, #tpu.memory_space<vmem>>, vector<256x4096xf32>
    %swap3A = arith.constant 0 : index
    %swap3A_2 = arith.constant 0 : index
    %swap3A_3 = vector.load %arg12[%swap3A, %swap3A_2] : memref<256x4096xf32, #tpu.memory_space<vmem>>, vector<256x4096xf32>
    tpu.vector_store %arg12[%swap3A, %swap3A_2], %get3A_1 {strides = array<i32>} : memref<256x4096xf32, #tpu.memory_space<vmem>>, vector<256x4096xf32>,
    %get3A_4 = arith.constant 0 : index
    %get3A_5 = arith.constant 0 : index
    %get3A_6 = arith.constant 0 : index
    %get3A_7 = vector.load %arg5[%get3A_4, %get3A_5, %get3A_6] : memref<1x4096x64xf32, #tpu.memory_space<vmem>>, vector<1x4096x64xf32>
    %get3A_8 = vector.shape_cast %get3A_7 : vector<1x4096x64xf32> to vector<4096x64xf32>
    %get3A_9 = arith.constant 0 : index
    %get3A_10 = arith.constant 0 : index
    %get3A_11 = vector.load %arg4[%get3A_9, %get3A_10] : memref<256x128xf32, #tpu.memory_space<vmem>>, vector<256x128xf32>
    %get3A_12 = arith.constant 0 : index
    %get3A_13 = arith.constant 0 : index
    %get3A_14 = vector.load %arg6[%get3A_12, %get3A_13] : memref<128x64xf32, #tpu.memory_space<vmem>>, vector<128x64xf32>
    %dot_general3A = arith.constant dense<0.000000e+00> : vector<256x64xf32>
    %dot_general3A_15 = tpu.matmul %get3A_11, %get3A_14, %dot_general3A {dimension_numbers = #tpu.dot_dimension_numbers<[1], [0], [0], [1], [0, 0, 1, 1], [], []>, precision = #tpu.contract_precision<fp32>, transpose_lhs_hint = false} : vector<256x128xf32>, vector<128x64xf32>, vector<256x64xf32> -> vector<256x64xf32>
    %get3A_16 = arith.constant 0 : index
    %get3A_17 = arith.constant 0 : index
    %get3A_18 = vector.load %arg3[%get3A_16, %get3A_17] : memref<256x3xf32, #tpu.memory_space<vmem>>, vector<256x3xf32>
    %get3A_19 = arith.constant 0 : index
    %get3A_20 = arith.constant 0 : index
    %get3A_21 = vector.load %arg7[%get3A_19, %get3A_20] : memref<3x64xf32, #tpu.memory_space<vmem>>, vector<3x64xf32>
    %dot_general3A_22 = arith.constant dense<0.000000e+00> : vector<256x64xf32>
    %dot_general3A_23 = tpu.matmul %get3A_18, %get3A_21, %dot_general3A_22 {dimension_numbers = #tpu.dot_dimension_numbers<[1], [0], [0], [1], [0, 0, 1, 1], [], []>, precision = #tpu.contract_precision<fp32>, transpose_lhs_hint = false} : vector<256x3xf32>, vector<3x64xf32>, vector<256x64xf32> -> vector<256x64xf32>
    %sub3A = arith.subf %dot_general3A_15, %dot_general3A_23 : vector<256x64xf32>
    %get3A_24 = arith.constant 0 : index
    %get3A_25 = arith.constant 0 : index
    %get3A_26 = vector.load %arg8[%get3A_24, %get3A_25] : memref<1x64xf32, #tpu.memory_space<vmem>>, vector<1x64xf32>
    %add3A = vector.broadcast %get3A_26 : vector<1x64xf32> to vector<256x64xf32>
    %add3A_27 = arith.addf %sub3A, %add3A : vector<256x64xf32>
    %swap3A_28 = arith.constant 0 : index
    %swap3A_29 = arith.constant 0 : index
    %swap3A_30 = vector.load %arg13[%swap3A_28, %swap3A_29] : memref<256x64xf32, #tpu.memory_space<vmem>>, vector<256x64xf32>
    tpu.vector_store %arg13[%swap3A_28, %swap3A_29], %add3A_27 {strides = array<i32>} : memref<256x64xf32, #tpu.memory_space<vmem>>, vector<256x64xf32>,
    %broadcast_in_dim3A = arith.constant 0xFF800000 : f32
    %broadcast_in_dim3A_31 = vector.broadcast %broadcast_in_dim3A : f32 to vector<256x64xf32>
    %swap3A_32 = arith.constant 0 : index
    %swap3A_33 = arith.constant 0 : index
    %swap3A_34 = vector.load %arg11[%swap3A_32, %swap3A_33] : memref<256x64xf32, #tpu.memory_space<vmem>>, vector<256x64xf32>
    tpu.vector_store %arg11[%swap3A_32, %swap3A_33], %broadcast_in_dim3A_31 {strides = array<i32>} : memref<256x64xf32, #tpu.memory_space<vmem>>, vector<256x64xf32>,
    %scan3A = arith.constant 0 : i32
    %scan3A_35 = arith.constant 32 : i32
    %scan3A_36 = arith.addi %scan3A, %scan3A_35 : i32
    %scan3A_37 = arith.constant 1 : i32
    scf.for %scan3A_38 = %scan3A to %scan3A_36 step %scan3A_37  : i32 {
      %get3A_39 = arith.constant 0 : index
      %get3A_40 = arith.constant 0 : index
      %get3A_41 = vector.load %arg12[%get3A_39, %get3A_40] : memref<256x4096xf32, #tpu.memory_space<vmem>>, vector<256x4096xf32>
      %reduce_min3A = arith.constant dense<0x7F800000> : vector<256xf32>
      %reduce_min3A_42 = vector.multi_reduction <minimumf>, %get3A_41, %reduce_min3A [1] : vector<256x4096xf32> to vector<256xf32>
      %broadcast_in_dim3A_43 = vector.shape_cast %reduce_min3A_42 : vector<256xf32> to vector<256x1xf32>
      %iota3A = tpu.iota {dimensions = array<i32: 1>} : vector<256x4096xi32>
      %le3A = vector.broadcast %broadcast_in_dim3A_43 : vector<256x1xf32> to vector<256x4096xf32>
      %le3A_44 = arith.cmpf ole, %get3A_41, %le3A : vector<256x4096xf32>
      %jit3A = arith.constant 4096 : i32
      %broadcast_in_dim3A_45 = vector.broadcast %jit3A : i32 to vector<256x4096xi32>
      %select_n3A = arith.select %le3A_44, %iota3A, %broadcast_in_dim3A_45 : vector<256x4096xi1>, vector<256x4096xi32>
      %reduce_min3A_46 = arith.constant dense<2147483647> : vector<256xi32>
      %reduce_min3A_47 = vector.multi_reduction <minsi>, %select_n3A, %reduce_min3A_46 [1] : vector<256x4096xi32> to vector<256xi32>
      %broadcast_in_dim3A_48 = vector.shape_cast %reduce_min3A_47 : vector<256xi32> to vector<256x1xi32>
      %eq3A = vector.broadcast %broadcast_in_dim3A_48 : vector<256x1xi32> to vector<256x4096xi32>
      %eq3A_49 = arith.cmpi eq, %iota3A, %eq3A : vector<256x4096xi32>
      %jit3A_50 = arith.constant 0x7F800000 : f32
      %broadcast_in_dim3A_51 = vector.broadcast %jit3A_50 : f32 to vector<256x4096xf32>
      %select_n3A_52 = arith.select %eq3A_49, %broadcast_in_dim3A_51, %get3A_41 : vector<256x4096xi1>, vector<256x4096xf32>
      %swap3A_53 = arith.constant 0 : index
      %swap3A_54 = arith.constant 0 : index
      %swap3A_55 = vector.load %arg12[%swap3A_53, %swap3A_54] : memref<256x4096xf32, #tpu.memory_space<vmem>>, vector<256x4096xf32>
      tpu.vector_store %arg12[%swap3A_53, %swap3A_54], %select_n3A_52 {strides = array<i32>} : memref<256x4096xf32, #tpu.memory_space<vmem>>, vector<256x4096xf32>,
      %convert_element_type3A = arith.extui %eq3A_49 : vector<256x4096xi1> to vector<256x4096xi32>
      %convert_element_type3A_56 = arith.sitofp %convert_element_type3A : vector<256x4096xi32> to vector<256x4096xf32>
      %dot_general3A_57 = arith.constant dense<0.000000e+00> : vector<256x64xf32>
      %dot_general3A_58 = tpu.matmul %convert_element_type3A_56, %get3A_8, %dot_general3A_57 {dimension_numbers = #tpu.dot_dimension_numbers<[1], [0], [0], [1], [0, 0, 1, 1], [], []>, precision = #tpu.contract_precision<fp32>, transpose_lhs_hint = false} : vector<256x4096xf32>, vector<4096x64xf32>, vector<256x64xf32> -> vector<256x64xf32>
      %get3A_59 = arith.constant 0 : index
      %get3A_60 = arith.constant 0 : index
      %get3A_61 = vector.load %arg13[%get3A_59, %get3A_60] : memref<256x64xf32, #tpu.memory_space<vmem>>, vector<256x64xf32>
      %add3A_62 = arith.addf %get3A_61, %dot_general3A_58 : vector<256x64xf32>
      %ge3A = arith.constant 0.000000e+00 : f32
      %ge3A_63 = vector.broadcast %ge3A : f32 to vector<256x64xf32>
      %ge3A_64 = arith.cmpf oge, %add3A_62, %ge3A_63 : vector<256x64xf32>
      %mul3A = arith.constant 1.000000e-01 : f32
      %mul3A_65 = vector.broadcast %mul3A : f32 to vector<256x64xf32>
      %mul3A_66 = arith.mulf %mul3A_65, %add3A_62 : vector<256x64xf32>
      %select_n3A_67 = arith.select %ge3A_64, %add3A_62, %mul3A_66 : vector<256x64xi1>, vector<256x64xf32>
      %get3A_68 = arith.constant 0 : index
      %get3A_69 = arith.constant 0 : index
      %get3A_70 = vector.load %arg9[%get3A_68, %get3A_69] : memref<64x64xf32, #tpu.memory_space<vmem>>, vector<64x64xf32>
      %dot_general3A_71 = arith.constant dense<0.000000e+00> : vector<256x64xf32>
      %dot_general3A_72 = tpu.matmul %select_n3A_67, %get3A_70, %dot_general3A_71 {dimension_numbers = #tpu.dot_dimension_numbers<[1], [0], [0], [1], [0, 0, 1, 1], [], []>, precision = #tpu.contract_precision<fp32>, transpose_lhs_hint = false} : vector<256x64xf32>, vector<64x64xf32>, vector<256x64xf32> -> vector<256x64xf32>
      %get3A_73 = arith.constant 0 : index
      %get3A_74 = arith.constant 0 : index
      %get3A_75 = vector.load %arg10[%get3A_73, %get3A_74] : memref<1x64xf32, #tpu.memory_space<vmem>>, vector<1x64xf32>
      %add3A_76 = vector.broadcast %get3A_75 : vector<1x64xf32> to vector<256x64xf32>
      %add3A_77 = arith.addf %dot_general3A_72, %add3A_76 : vector<256x64xf32>
      %ge3A_78 = arith.constant 0.000000e+00 : f32
      %ge3A_79 = vector.broadcast %ge3A_78 : f32 to vector<256x64xf32>
      %ge3A_80 = arith.cmpf oge, %add3A_77, %ge3A_79 : vector<256x64xf32>
      %mul3A_81 = arith.constant 1.000000e-01 : f32
      %mul3A_82 = vector.broadcast %mul3A_81 : f32 to vector<256x64xf32>
      %mul3A_83 = arith.mulf %mul3A_82, %add3A_77 : vector<256x64xf32>
      %select_n3A_84 = arith.select %ge3A_80, %add3A_77, %mul3A_83 : vector<256x64xi1>, vector<256x64xf32>
      %get3A_85 = arith.constant 0 : index
      %get3A_86 = arith.constant 0 : index
      %get3A_87 = vector.load %arg11[%get3A_85, %get3A_86] : memref<256x64xf32, #tpu.memory_space<vmem>>, vector<256x64xf32>
      %max3A = arith.maximumf %get3A_87, %select_n3A_84 : vector<256x64xf32>
      %swap3A_88 = arith.constant 0 : index
      %swap3A_89 = arith.constant 0 : index
      %swap3A_90 = vector.load %arg11[%swap3A_88, %swap3A_89] : memref<256x64xf32, #tpu.memory_space<vmem>>, vector<256x64xf32>
      tpu.vector_store %arg11[%swap3A_88, %swap3A_89], %max3A {strides = array<i32>} : memref<256x64xf32, #tpu.memory_space<vmem>>, vector<256x64xf32>,
    }
    return
  }
  func.func @transform_0(%arg0: i32, %arg1: i32) -> (i32, i32) {
    %mul3A = arith.constant 16 : i32
    %mul3A_0 = arith.muli %arg0, %mul3A : i32
    %add3A = arith.addi %mul3A_0, %arg1 : i32
    %c0_i32 = arith.constant 0 : i32
    %c0_i32_1 = arith.constant 0 : i32
    return %add3A, %c0_i32 : i32, i32
  }
  func.func @transform_1(%arg0: i32, %arg1: i32) -> (i32, i32) {
    %mul3A = arith.constant 16 : i32
    %mul3A_0 = arith.muli %arg0, %mul3A : i32
    %add3A = arith.addi %mul3A_0, %arg1 : i32
    %c0_i32 = arith.constant 0 : i32
    %c0_i32_1 = arith.constant 0 : i32
    return %add3A, %c0_i32 : i32, i32
  }
  func.func @transform_2(%arg0: i32, %arg1: i32) -> (i32, i32) {
    %mul3A = arith.constant 16 : i32
    %mul3A_0 = arith.muli %arg0, %mul3A : i32
    %add3A = arith.addi %mul3A_0, %arg1 : i32
    %c0_i32 = arith.constant 0 : i32
    %c0_i32_1 = arith.constant 0 : i32
    return %add3A, %c0_i32 : i32, i32
  }
  func.func @transform_3(%arg0: i32, %arg1: i32) -> (i32, i32, i32) {
    %c0_i32 = arith.constant 0 : i32
    %c0_i32_0 = arith.constant 0 : i32
    %c0_i32_1 = arith.constant 0 : i32
    return %arg0, %c0_i32, %c0_i32_0 : i32, i32, i32
  }
  func.func @transform_4(%arg0: i32, %arg1: i32) -> (i32, i32) {
    %c0_i32 = arith.constant 0 : i32
    %c0_i32_0 = arith.constant 0 : i32
    %c0_i32_1 = arith.constant 0 : i32
    return %c0_i32, %c0_i32_0 : i32, i32
  }
  func.func @transform_5(%arg0: i32, %arg1: i32) -> (i32, i32) {
    %c0_i32 = arith.constant 0 : i32
    %c0_i32_0 = arith.constant 0 : i32
    %c0_i32_1 = arith.constant 0 : i32
    return %c0_i32, %c0_i32_0 : i32, i32
  }
  func.func @transform_6(%arg0: i32, %arg1: i32) -> (i32, i32) {
    %c0_i32 = arith.constant 0 : i32
    %c0_i32_0 = arith.constant 0 : i32
    %c0_i32_1 = arith.constant 0 : i32
    return %c0_i32, %c0_i32_0 : i32, i32
  }
  func.func @transform_7(%arg0: i32, %arg1: i32) -> (i32, i32) {
    %c0_i32 = arith.constant 0 : i32
    %c0_i32_0 = arith.constant 0 : i32
    %c0_i32_1 = arith.constant 0 : i32
    return %c0_i32, %c0_i32_0 : i32, i32
  }
  func.func @transform_8(%arg0: i32, %arg1: i32) -> (i32, i32) {
    %c0_i32 = arith.constant 0 : i32
    %c0_i32_0 = arith.constant 0 : i32
    %c0_i32_1 = arith.constant 0 : i32
    return %c0_i32, %c0_i32_0 : i32, i32
  }
  func.func @transform_9(%arg0: i32, %arg1: i32) -> (i32, i32) {
    %mul3A = arith.constant 16 : i32
    %mul3A_0 = arith.muli %arg0, %mul3A : i32
    %add3A = arith.addi %mul3A_0, %arg1 : i32
    %c0_i32 = arith.constant 0 : i32
    %c0_i32_1 = arith.constant 0 : i32
    return %add3A, %c0_i32 : i32, i32
  }
}

module attributes {stable_mosaic.version = 14 : i64} {
  func.func @_flow_mlp_body(%arg0: i32, %arg1: memref<1024x259xf32, #tpu.memory_space<vmem>>, %arg2: memref<256x259xf32, #tpu.memory_space<vmem>>, %arg3: memref<1x256xf32, #tpu.memory_space<vmem>>, %arg4: memref<256x256xf32, #tpu.memory_space<vmem>>, %arg5: memref<1x256xf32, #tpu.memory_space<vmem>>, %arg6: memref<256x256xf32, #tpu.memory_space<vmem>>, %arg7: memref<1x256xf32, #tpu.memory_space<vmem>>, %arg8: memref<128x256xf32, #tpu.memory_space<vmem>>, %arg9: memref<1x128xf32, #tpu.memory_space<vmem>>, %arg10: memref<3x128xf32, #tpu.memory_space<vmem>>, %arg11: memref<1x3xf32, #tpu.memory_space<vmem>>, %arg12: memref<1024x128xf32, #tpu.memory_space<vmem>>, %arg13: memref<1024x3xf32, #tpu.memory_space<vmem>>) attributes {dimension_semantics = [#tpu.dimension_semantics<arbitrary>], iteration_bounds = array<i64: 8>, scalar_prefetch = 0 : i64, scratch_operands = 0 : i64, tpu.core_type = #tpu.core_type<tc>, window_params = [{transform_indices = @transform_0, window_bounds = array<i64: 1024, 259>}, {pipeline_mode = #tpu.pipeline_mode<synchronous>, transform_indices = @transform_1, window_bounds = array<i64: 256, 259>}, {pipeline_mode = #tpu.pipeline_mode<synchronous>, transform_indices = @transform_2, window_bounds = array<i64: 1, 256>}, {pipeline_mode = #tpu.pipeline_mode<synchronous>, transform_indices = @transform_3, window_bounds = array<i64: 256, 256>}, {pipeline_mode = #tpu.pipeline_mode<synchronous>, transform_indices = @transform_4, window_bounds = array<i64: 1, 256>}, {pipeline_mode = #tpu.pipeline_mode<synchronous>, transform_indices = @transform_5, window_bounds = array<i64: 256, 256>}, {pipeline_mode = #tpu.pipeline_mode<synchronous>, transform_indices = @transform_6, window_bounds = array<i64: 1, 256>}, {pipeline_mode = #tpu.pipeline_mode<synchronous>, transform_indices = @transform_7, window_bounds = array<i64: 128, 256>}, {pipeline_mode = #tpu.pipeline_mode<synchronous>, transform_indices = @transform_8, window_bounds = array<i64: 1, 128>}, {pipeline_mode = #tpu.pipeline_mode<synchronous>, transform_indices = @transform_9, window_bounds = array<i64: 3, 128>}, {pipeline_mode = #tpu.pipeline_mode<synchronous>, transform_indices = @transform_10, window_bounds = array<i64: 1, 3>}, {transform_indices = @transform_11, window_bounds = array<i64: 1024, 128>}, {transform_indices = @transform_12, window_bounds = array<i64: 1024, 3>}]} {
    %get3A = arith.constant 0 : index
    %get3A_0 = arith.constant 0 : index
    %get3A_1 = vector.load %arg1[%get3A, %get3A_0] : memref<1024x259xf32, #tpu.memory_space<vmem>>, vector<1024x259xf32>
    %get3A_2 = arith.constant 0 : index
    %get3A_3 = arith.constant 0 : index
    %get3A_4 = vector.load %arg2[%get3A_2, %get3A_3] : memref<256x259xf32, #tpu.memory_space<vmem>>, vector<256x259xf32>
    %dot_general3A = arith.constant dense<0.000000e+00> : vector<1024x256xf32>
    %dot_general3A_5 = tpu.matmul %get3A_1, %get3A_4, %dot_general3A {dimension_numbers = #tpu.dot_dimension_numbers<[1], [1], [0], [0], [0, 0, 1, 0], [], []>, precision = #tpu.contract_precision<fp32>, transpose_lhs_hint = false} : vector<1024x259xf32>, vector<256x259xf32>, vector<1024x256xf32> -> vector<1024x256xf32>
    %get3A_6 = arith.constant 0 : index
    %get3A_7 = arith.constant 0 : index
    %get3A_8 = vector.load %arg3[%get3A_6, %get3A_7] : memref<1x256xf32, #tpu.memory_space<vmem>>, vector<1x256xf32>
    %add3A = vector.broadcast %get3A_8 : vector<1x256xf32> to vector<1024x256xf32>
    %add3A_9 = arith.addf %dot_general3A_5, %add3A : vector<1024x256xf32>
    %ge3A = arith.constant 0.000000e+00 : f32
    %ge3A_10 = vector.broadcast %ge3A : f32 to vector<1024x256xf32>
    %ge3A_11 = arith.cmpf oge, %add3A_9, %ge3A_10 : vector<1024x256xf32>
    %mul3A = arith.constant 1.000000e-01 : f32
    %mul3A_12 = vector.broadcast %mul3A : f32 to vector<1024x256xf32>
    %mul3A_13 = arith.mulf %mul3A_12, %add3A_9 : vector<1024x256xf32>
    %select_n3A = arith.select %ge3A_11, %add3A_9, %mul3A_13 : vector<1024x256xi1>, vector<1024x256xf32>
    %get3A_14 = arith.constant 0 : index
    %get3A_15 = arith.constant 0 : index
    %get3A_16 = vector.load %arg4[%get3A_14, %get3A_15] : memref<256x256xf32, #tpu.memory_space<vmem>>, vector<256x256xf32>
    %dot_general3A_17 = arith.constant dense<0.000000e+00> : vector<1024x256xf32>
    %dot_general3A_18 = tpu.matmul %select_n3A, %get3A_16, %dot_general3A_17 {dimension_numbers = #tpu.dot_dimension_numbers<[1], [1], [0], [0], [0, 0, 1, 0], [], []>, precision = #tpu.contract_precision<fp32>, transpose_lhs_hint = false} : vector<1024x256xf32>, vector<256x256xf32>, vector<1024x256xf32> -> vector<1024x256xf32>
    %get3A_19 = arith.constant 0 : index
    %get3A_20 = arith.constant 0 : index
    %get3A_21 = vector.load %arg5[%get3A_19, %get3A_20] : memref<1x256xf32, #tpu.memory_space<vmem>>, vector<1x256xf32>
    %add3A_22 = vector.broadcast %get3A_21 : vector<1x256xf32> to vector<1024x256xf32>
    %add3A_23 = arith.addf %dot_general3A_18, %add3A_22 : vector<1024x256xf32>
    %ge3A_24 = arith.constant 0.000000e+00 : f32
    %ge3A_25 = vector.broadcast %ge3A_24 : f32 to vector<1024x256xf32>
    %ge3A_26 = arith.cmpf oge, %add3A_23, %ge3A_25 : vector<1024x256xf32>
    %mul3A_27 = arith.constant 1.000000e-01 : f32
    %mul3A_28 = vector.broadcast %mul3A_27 : f32 to vector<1024x256xf32>
    %mul3A_29 = arith.mulf %mul3A_28, %add3A_23 : vector<1024x256xf32>
    %select_n3A_30 = arith.select %ge3A_26, %add3A_23, %mul3A_29 : vector<1024x256xi1>, vector<1024x256xf32>
    %get3A_31 = arith.constant 0 : index
    %get3A_32 = arith.constant 0 : index
    %get3A_33 = vector.load %arg6[%get3A_31, %get3A_32] : memref<256x256xf32, #tpu.memory_space<vmem>>, vector<256x256xf32>
    %dot_general3A_34 = arith.constant dense<0.000000e+00> : vector<1024x256xf32>
    %dot_general3A_35 = tpu.matmul %select_n3A_30, %get3A_33, %dot_general3A_34 {dimension_numbers = #tpu.dot_dimension_numbers<[1], [1], [0], [0], [0, 0, 1, 0], [], []>, precision = #tpu.contract_precision<fp32>, transpose_lhs_hint = false} : vector<1024x256xf32>, vector<256x256xf32>, vector<1024x256xf32> -> vector<1024x256xf32>
    %get3A_36 = arith.constant 0 : index
    %get3A_37 = arith.constant 0 : index
    %get3A_38 = vector.load %arg7[%get3A_36, %get3A_37] : memref<1x256xf32, #tpu.memory_space<vmem>>, vector<1x256xf32>
    %add3A_39 = vector.broadcast %get3A_38 : vector<1x256xf32> to vector<1024x256xf32>
    %add3A_40 = arith.addf %dot_general3A_35, %add3A_39 : vector<1024x256xf32>
    %ge3A_41 = arith.constant 0.000000e+00 : f32
    %ge3A_42 = vector.broadcast %ge3A_41 : f32 to vector<1024x256xf32>
    %ge3A_43 = arith.cmpf oge, %add3A_40, %ge3A_42 : vector<1024x256xf32>
    %mul3A_44 = arith.constant 1.000000e-01 : f32
    %mul3A_45 = vector.broadcast %mul3A_44 : f32 to vector<1024x256xf32>
    %mul3A_46 = arith.mulf %mul3A_45, %add3A_40 : vector<1024x256xf32>
    %select_n3A_47 = arith.select %ge3A_43, %add3A_40, %mul3A_46 : vector<1024x256xi1>, vector<1024x256xf32>
    %get3A_48 = arith.constant 0 : index
    %get3A_49 = arith.constant 0 : index
    %get3A_50 = vector.load %arg8[%get3A_48, %get3A_49] : memref<128x256xf32, #tpu.memory_space<vmem>>, vector<128x256xf32>
    %dot_general3A_51 = arith.constant dense<0.000000e+00> : vector<1024x128xf32>
    %dot_general3A_52 = tpu.matmul %select_n3A_47, %get3A_50, %dot_general3A_51 {dimension_numbers = #tpu.dot_dimension_numbers<[1], [1], [0], [0], [0, 0, 1, 0], [], []>, precision = #tpu.contract_precision<fp32>, transpose_lhs_hint = false} : vector<1024x256xf32>, vector<128x256xf32>, vector<1024x128xf32> -> vector<1024x128xf32>
    %get3A_53 = arith.constant 0 : index
    %get3A_54 = arith.constant 0 : index
    %get3A_55 = vector.load %arg9[%get3A_53, %get3A_54] : memref<1x128xf32, #tpu.memory_space<vmem>>, vector<1x128xf32>
    %add3A_56 = vector.broadcast %get3A_55 : vector<1x128xf32> to vector<1024x128xf32>
    %add3A_57 = arith.addf %dot_general3A_52, %add3A_56 : vector<1024x128xf32>
    %ge3A_58 = arith.constant 0.000000e+00 : f32
    %ge3A_59 = vector.broadcast %ge3A_58 : f32 to vector<1024x128xf32>
    %ge3A_60 = arith.cmpf oge, %add3A_57, %ge3A_59 : vector<1024x128xf32>
    %mul3A_61 = arith.constant 1.000000e-01 : f32
    %mul3A_62 = vector.broadcast %mul3A_61 : f32 to vector<1024x128xf32>
    %mul3A_63 = arith.mulf %mul3A_62, %add3A_57 : vector<1024x128xf32>
    %select_n3A_64 = arith.select %ge3A_60, %add3A_57, %mul3A_63 : vector<1024x128xi1>, vector<1024x128xf32>
    %swap3A = arith.constant 0 : index
    %swap3A_65 = arith.constant 0 : index
    %swap3A_66 = vector.load %arg12[%swap3A, %swap3A_65] : memref<1024x128xf32, #tpu.memory_space<vmem>>, vector<1024x128xf32>
    tpu.vector_store %arg12[%swap3A, %swap3A_65], %select_n3A_64 {strides = array<i32>} : memref<1024x128xf32, #tpu.memory_space<vmem>>, vector<1024x128xf32>,
    %get3A_67 = arith.constant 0 : index
    %get3A_68 = arith.constant 0 : index
    %get3A_69 = vector.load %arg10[%get3A_67, %get3A_68] : memref<3x128xf32, #tpu.memory_space<vmem>>, vector<3x128xf32>
    %dot_general3A_70 = arith.constant dense<0.000000e+00> : vector<1024x3xf32>
    %dot_general3A_71 = tpu.matmul %select_n3A_64, %get3A_69, %dot_general3A_70 {dimension_numbers = #tpu.dot_dimension_numbers<[1], [1], [0], [0], [0, 0, 1, 0], [], []>, precision = #tpu.contract_precision<fp32>, transpose_lhs_hint = false} : vector<1024x128xf32>, vector<3x128xf32>, vector<1024x3xf32> -> vector<1024x3xf32>
    %get3A_72 = arith.constant 0 : index
    %get3A_73 = arith.constant 0 : index
    %get3A_74 = vector.load %arg11[%get3A_72, %get3A_73] : memref<1x3xf32, #tpu.memory_space<vmem>>, vector<1x3xf32>
    %add3A_75 = vector.broadcast %get3A_74 : vector<1x3xf32> to vector<1024x3xf32>
    %add3A_76 = arith.addf %dot_general3A_71, %add3A_75 : vector<1024x3xf32>
    %swap3A_77 = arith.constant 0 : index
    %swap3A_78 = arith.constant 0 : index
    %swap3A_79 = vector.load %arg13[%swap3A_77, %swap3A_78] : memref<1024x3xf32, #tpu.memory_space<vmem>>, vector<1024x3xf32>
    tpu.vector_store %arg13[%swap3A_77, %swap3A_78], %add3A_76 {strides = array<i32>} : memref<1024x3xf32, #tpu.memory_space<vmem>>, vector<1024x3xf32>,
    return
  }
  func.func @transform_0(%arg0: i32) -> (i32, i32) {
    %c0_i32 = arith.constant 0 : i32
    %c0_i32_0 = arith.constant 0 : i32
    return %arg0, %c0_i32 : i32, i32
  }
  func.func @transform_1(%arg0: i32) -> (i32, i32) {
    %c0_i32 = arith.constant 0 : i32
    %c0_i32_0 = arith.constant 0 : i32
    %c0_i32_1 = arith.constant 0 : i32
    return %c0_i32, %c0_i32_0 : i32, i32
  }
  func.func @transform_2(%arg0: i32) -> (i32, i32) {
    %c0_i32 = arith.constant 0 : i32
    %c0_i32_0 = arith.constant 0 : i32
    %c0_i32_1 = arith.constant 0 : i32
    return %c0_i32, %c0_i32_0 : i32, i32
  }
  func.func @transform_3(%arg0: i32) -> (i32, i32) {
    %c0_i32 = arith.constant 0 : i32
    %c0_i32_0 = arith.constant 0 : i32
    %c0_i32_1 = arith.constant 0 : i32
    return %c0_i32, %c0_i32_0 : i32, i32
  }
  func.func @transform_4(%arg0: i32) -> (i32, i32) {
    %c0_i32 = arith.constant 0 : i32
    %c0_i32_0 = arith.constant 0 : i32
    %c0_i32_1 = arith.constant 0 : i32
    return %c0_i32, %c0_i32_0 : i32, i32
  }
  func.func @transform_5(%arg0: i32) -> (i32, i32) {
    %c0_i32 = arith.constant 0 : i32
    %c0_i32_0 = arith.constant 0 : i32
    %c0_i32_1 = arith.constant 0 : i32
    return %c0_i32, %c0_i32_0 : i32, i32
  }
  func.func @transform_6(%arg0: i32) -> (i32, i32) {
    %c0_i32 = arith.constant 0 : i32
    %c0_i32_0 = arith.constant 0 : i32
    %c0_i32_1 = arith.constant 0 : i32
    return %c0_i32, %c0_i32_0 : i32, i32
  }
  func.func @transform_7(%arg0: i32) -> (i32, i32) {
    %c0_i32 = arith.constant 0 : i32
    %c0_i32_0 = arith.constant 0 : i32
    %c0_i32_1 = arith.constant 0 : i32
    return %c0_i32, %c0_i32_0 : i32, i32
  }
  func.func @transform_8(%arg0: i32) -> (i32, i32) {
    %c0_i32 = arith.constant 0 : i32
    %c0_i32_0 = arith.constant 0 : i32
    %c0_i32_1 = arith.constant 0 : i32
    return %c0_i32, %c0_i32_0 : i32, i32
  }
  func.func @transform_9(%arg0: i32) -> (i32, i32) {
    %c0_i32 = arith.constant 0 : i32
    %c0_i32_0 = arith.constant 0 : i32
    %c0_i32_1 = arith.constant 0 : i32
    return %c0_i32, %c0_i32_0 : i32, i32
  }
  func.func @transform_10(%arg0: i32) -> (i32, i32) {
    %c0_i32 = arith.constant 0 : i32
    %c0_i32_0 = arith.constant 0 : i32
    %c0_i32_1 = arith.constant 0 : i32
    return %c0_i32, %c0_i32_0 : i32, i32
  }
  func.func @transform_11(%arg0: i32) -> (i32, i32) {
    %c0_i32 = arith.constant 0 : i32
    %c0_i32_0 = arith.constant 0 : i32
    return %arg0, %c0_i32 : i32, i32
  }
  func.func @transform_12(%arg0: i32) -> (i32, i32) {
    %c0_i32 = arith.constant 0 : i32
    %c0_i32_0 = arith.constant 0 : i32
    return %arg0, %c0_i32 : i32, i32
  }
}

</mosaic_0001>

<sc_bundles>
// kernel: gather_offload_async_start.1
scs
__scs_entry_jumppad:
0x0: {  	(pc) =	sbr.rel $0x88, $3  }
0x1: {  	(tag) =	ssettag $0x0;
	lr =	simm.s32 $0x1  }
0x2: {  	[smem:$0x3F45] =	sst lr;
	_ =	strace $0xD0000000  }
0x3: {  	_ = 	snop  }
0x4: {  	_ = 	snop  }
0x5: {  	_ = 	snop  }
0x6: {  	_ = 	snop  }
0x7: {  	_ = 	snop  }
__scs_overlays_trampoline_lowered:
0x8: {  	[smem:$0x3F54] =	sst s0  }
0x9: {  	[smem:$0x3F55] =	sst s1  }
0xa: {  	[smem:$0x3F56] =	sst s2  }
0xb: {  	[smem:$0x3F57] =	sst s3  }
0xc: {  	[smem:$0x3F58] =	sst s4  }
0xd: {  	[smem:$0x3F59] =	sst s5  }
0xe: {  	[smem:$0x3F5A] =	sst s6  }
0xf: {  	[smem:$0x3F5B] =	sst s7  }
0x10: {  	[smem:$0x3F5C] =	sst s8  }
0x11: {  	[smem:$0x3F5D] =	sst s9;
	s0 =	simm.s32 @!p0 $0x0  }
0x12: {  	s1 =	sld [smem:$0x3F43];
	s0 =	simm.s32 @p0 $0x1  }
0x13: {  	[smem:$0x3F5E] =	sst s0;
	s0 =	simm.s32 @!p1 $0x0  }
0x14: {  	s2 =	sld [smem:$0x3F42];
	s0 =	simm.s32 @p1 $0x1  }
0x15: {  	[smem:$0x3F5F] =	sst s0;
	s0 =	simm.s32 @!p2 $0x0  }
0x16: {  	s3 =	sld [smem:$0x3FDB];
	s0 =	simm.s32 @p2 $0x1  }
0x17: {  	s4 =	simm.s32 $0x1BF5;
	[smem:$0x3F61] =	sst s0  }
0x18: {  	s0 =	sld [smem:$0x3F44];
	_ =	swait.ge [sflag:s4], $0x0  }
0x19: {  	s7 =	sld [smem:$0x3F45]  }
0x1a: {  	s8 =	sadd.s32 $0xFFFFE003, lr  }
0x1b: {  	s9 =	sadd.s32 $0xFFFFFEF7, lr;
	s5 =	simm.s32 $0xFFFFFFFF;
	p2 =	slt.u32 s8, $0xFFFFF086  }
0x1c: {  	p1 =	slt.u32 s9, $0xF7A;
	s5 =	simm.s32 @!p2 $0x0  }
0x1d: {  	s5 =	simm.s32 @p1 $0x1;
	p0 =	seq.s32 s7, s2  }
0x1e: {  	s7 =	smul.u32 @!p0 $0xF7A, s2;
	p2 =	seq.s32 @!p0 s5, $0x0  }
0x1f: {  	s9 =	smul.u32 $0xF7A, s1;
	s8 =	simm.s32 @!p0 $0x1BF5;
	p2 =	por !p2, p0  }
0x20: {  	[sflag:s8] =	ssyncset.s32 @!p0 $0xFFFFF086;
	s6 =	sadd.s32 @!p0 s3, s7;
	s7 =	simm.s32 @!p0 $0x108  }
0x21: {  	s3 =	sadd.s32 s3, s9;
	s6 =	sadd.s32 @!p0 $0x88, s6;
	s7 =	simm.s32 @p2 $0x1082  }
0x22: {  	[simem:s7], [sflag:s8] =	dma.local @!p0 [hbm:s6], $0xF7A  }
0x23: {  	s9 =	sor.u32 $0xD0000000, s2;
	s6 =	simm.s32 $0x108;
	_ =	swait.ge @!p0 [sflag:s8], $0x0  }
0x24: {  	s3 =	sadd.s32 $0x88, s3;
	s6 =	simm.s32 @!p1 $0x1082;
	[sflag:s4] =	ssyncset.s32 $0xFFFFF086  }
0x25: {  	[simem:s6], [sflag:s4] =	dma.local [hbm:s3], $0xF7A  }
0x26: {  	[smem:$0x3F45] =	sst s1;
	(tag) =	ssettag s2;
	_ =	strace s9  }
0x27: {  	s1 =	sld [smem:$0x3F55]  }
0x28: {  	s2 =	sld [smem:$0x3F56]  }
0x29: {  	s4 =	sld [smem:$0x3F58]  }
0x2a: {  	p0 =	seq.s32 s5, $0x0;
	s5 =	sld [smem:$0x3F59]  }
0x2b: {  	s6 =	sld [smem:$0x3F5A]  }
0x2c: {  	s7 =	sld [smem:$0x3F5B]  }
0x2d: {  	s3 =	simm.s32 $0x108;
	s8 =	sld [smem:$0x3F5C]  }
0x2e: {  	s3 =	simm.s32 @!p0 $0x1082;
	s9 =	sld [smem:$0x3F5D]  }
0x2f: {  	lr =	sadd.s32 s0, s3;
	s0 =	sld [smem:$0x3F54]  }
0x30: {  	s3 =	sld [smem:$0x3F57]  }
0x31: {  	[smem:$0x3F60] =	sst s10  }
0x32: {  	s10 =	sld [smem:$0x3F5E];
	_ =	sdelay $0x3  }
0x33: {  	p0 =	seq.s32 s10, $0x1;
	s10 =	sld [smem:$0x3F60];
	_ =	sdelay $0x3  }
0x34: {  	[smem:$0x3F60] =	sst s10  }
0x35: {  	s10 =	sld [smem:$0x3F5F];
	_ =	sdelay $0x3  }
0x36: {  	p1 =	seq.s32 s10, $0x1;
	s10 =	sld [smem:$0x3F60];
	_ =	sdelay $0x3  }
0x37: {  	[smem:$0x3F60] =	sst s10  }
0x38: {  	s10 =	sld [smem:$0x3F61]  }
0x39: {  	_ = 	snop;
	(pc) =	sbr.ind lr, $3  }
0x3a: {  	_ = 	snop  }
0x3b: {  	_ = 	snop  }
0x3c: {  	p2 =	seq.s32 s10, $0x1;
	s10 =	sld [smem:$0x3F60]  }
0x3d: {  	_ =	shalt  }
0x3e: {  	_ =	shalt  }
0x3f: {  	_ =	shalt  }
0x40: {  	_ =	shalt  }
0x41: {  	_ =	shalt  }
0x42: {  	_ =	shalt  }
0x43: {  	_ =	shalt  }
0x44: {  	_ =	shalt  }
0x45: {  	_ =	shalt  }
0x46: {  	_ =	shalt  }
0x47: {  	_ =	shalt  }
0x48: {  	_ =	shalt  }
0x49: {  	_ =	shalt  }
0x4a: {  	_ =	shalt  }
0x4b: {  	_ =	shalt  }
0x4c: {  	_ =	shalt  }
0x4d: {  	_ =	shalt  }
0x4e: {  	_ =	shalt  }
0x4f: {  	_ =	shalt  }
0x50: {  	_ =	shalt  }
0x51: {  	_ =	shalt  }
0x52: {  	_ =	shalt  }
0x53: {  	_ =	shalt  }
0x54: {  	_ =	shalt  }
0x55: {  	_ =	shalt  }
0x56: {  	_ =	shalt  }
0x57: {  	_ =	shalt  }
0x58: {  	_ =	shalt  }
0x59: {  	_ =	shalt  }
0x5a: {  	_ =	shalt  }
0x5b: {  	_ =	shalt  }
0x5c: {  	_ =	shalt  }
0x5d: {  	_ =	shalt  }
0x5e: {  	_ =	shalt  }
0x5f: {  	_ =	shalt  }
0x60: {  	_ =	shalt  }
0x61: {  	_ =	shalt  }
0x62: {  	_ =	shalt  }
0x63: {  	_ =	shalt  }
0x64: {  	_ =	shalt  }
0x65: {  	_ =	shalt  }
0x66: {  	_ =	shalt  }
0x67: {  	_ =	shalt  }
0x68: {  	_ =	shalt  }
0x69: {  	_ =	shalt  }
0x6a: {  	_ =	shalt  }
0x6b: {  	_ =	shalt  }
0x6c: {  	_ =	shalt  }
0x6d: {  	_ =	shalt  }
0x6e: {  	_ =	shalt  }
0x6f: {  	_ =	shalt  }
0x70: {  	_ =	shalt  }
0x71: {  	_ =	shalt  }
0x72: {  	_ =	shalt  }
0x73: {  	_ =	shalt  }
0x74: {  	_ =	shalt  }
0x75: {  	_ =	shalt  }
0x76: {  	_ =	shalt  }
0x77: {  	_ =	shalt  }
0x78: {  	_ =	shalt  }
0x79: {  	_ =	shalt  }
0x7a: {  	_ =	shalt  }
0x7b: {  	_ =	shalt  }
0x7c: {  	_ =	shalt  }
0x7d: {  	_ =	shalt  }
0x7e: {  	_ =	shalt  }
0x7f: {  	_ =	shalt  }
0x80: {  	_ =	shalt  }
0x81: {  	_ =	shalt  }
0x82: {  	_ =	shalt  }
0x83: {  	_ =	shalt  }
0x84: {  	_ =	shalt  }
0x85: {  	_ =	shalt  }
0x86: {  	_ =	shalt  }
0x87: {  	_ =	shalt  }
.Lfunc_end0:
.L_simem_size_0:
called_computation.1_lowered:
.L_overlay_start_0:
0x88: {  	s2 =	sld [smem:$0x3FD9]  }
0x89: {  	s3 =	sld [smem:$0x3FFE];
	_ =	sdelay $0x1  }
0x8a: {  	s1 =	srdreg.scid  }
0x8b: {  	s0 =	sand.u32 $0x1, s1  }
0x8c: {  	s16 =	sshll.u32 s0, $0xA;
	s2 =	sadd.s32 s3, s2  }
0x8d: {  	s2 =	sadd.s32 s2, s16  }
0x8e: {  	[smem:$0x3F6C] =	sst s2  }
0x8f: {  	_ = 	snop  }
0x90: {  	(tm) =	ssettm $0x1  }
0x91: {  	s17 =	sld [smem:$0x3FFB];
	_ =	sdelay $0x3  }
0x92: {  	_ =	strace s17  }
0x93: {  	s2 =	sld [smem:$0x3FFC];
	_ =	sdelay $0x3  }
0x94: {  	_ =	strace s2  }
0x95: {  	s2 =	sld [smem:$0x3FFD];
	_ =	sdelay $0x3  }
0x96: {  	_ =	strace s2  }
0x97: {  	_ =	strace $0x8FFFFFFF  }
0x98: {  	s18 =	sld [smem:$0x3FDB];
	_ =	sdelay $0x1  }
0x99: {  	s19 =	simm.s32 $_scs_section_size  }
0x9a: {  	s4 =	simm.s32 $_size__tile_overlayer_lowered;
	s5 =	simm.s32 $_tile_overlayer_lowered  }
0x9b: {  	s22 =	simm.s32 $0x1BFF;
	s21 =	sshll.u32 s5, $0x1;
	s2 =	sadd.s32 s19, s18  }
0x9c: {  	s6 =	simm.s32 $0x0;
	s20 =	sshll.u32 s4, $0x1;
	s4 =	sadd.s32 s21, s2  }
0x9d: {  	[timem:s6], [sflag:s22] =	dma.local [hbm:s4], s20  }
0x9e: {  	_ =	swait.ge [sflag:s22], s20  }
0x9f: {  	s3 =	ssub.s32 $0x0, s20;
	[sflag:s22] =	ssyncset.done $0x0  }
0xa0: {  	[sflag:s22] =	ssyncadd.s32 s3;
	_ =	sdelay $0x1  }
0xa1: {  	s23 =	simm.s32 $0x1B8B  }
0xa2: {  	_ =	swait.ge [sflag:s23], $0x1  }
0xa3: {  	[sflag:s23] =	ssyncset.done $0x0  }
0xa4: {  	s25 =	simm.s32 $0x1B8E;
	s24 =	sld [smem:$0x3FFE];
	[sflag:s23] =	ssyncadd.s32 $0xFFFFFFFF  }
0xa5: {  	s26 =	simm.s32 $execute0_lowered;
	[smem:$0x3FD2] =	sst s25  }
0xa6: {  	s4 =	sshll.u32 s26, $0x1;
	_ =	strace $0x80000046;
	[dreg:$0x1] =	wrdreg $0xFFFFFFFF  }
0xa7: {  	s28 =	simm.s32 $_size_execute0_lowered;
	s2 =	sadd.s32 s2, s4;
	[dreg:$0x0] =	wrdreg $0x0  }
0xa8: {  	s4 =	sshll.u32 s28, $0x1;
	[dreg:$0x2] =	wrdreg s2  }
0xa9: {  	[dreg:$0x3] =	wrdreg s4  }
0xaa: {  	[dreg:$0x4] =	wrdreg $0xC0  }
0xab: {  	_ =	task [dreg:s6], $0x5FFFF  }
0xac: {  	[dreg:$0x1] =	wrdreg $0xFFFFFFFF  }
0xad: {  	[dreg:$0x0] =	wrdreg $0x60  }
0xae: {  	[dreg:$0x2] =	wrdreg s24  }
0xaf: {  	[dreg:$0x3] =	wrdreg $0xA  }
0xb0: {  	_ =	task.clear_ibuf [dreg:s6], $0x4FFFF;
	_ =	strace $0x90000046  }
0xb1: {  	s29 =	simm.s32 $0xA;
	_ =	strace $0x80000048  }
0xb2: {  	_ =	swait.ge [sflag:s29], $0x1  }
0xb3: {  	[sflag:s29] =	ssyncadd.s32 $0xFFFFFFFF  }
0xb4: {  	_ =	strace $0x90000048  }
0xb5: {  	_ =	sfence  }
0xb6: {  	s30 =	sld [smem:$0x0];
	_ =	sdelay $0x2  }
0xb7: {  	s31 =	sshll.u32 s1, $0xD;
	s1 =	sshrl.u32 s1, $0x2  }
0xb8: {  	s3 =	sand.u32 $0x4000, s31;
	s1 =	sadd.s32 s1, s30  }
0xb9: {  	s0 =	sor.u32 s3, s0;
	s1 =	sshll.u32 s1, $0x11  }
0xba: {  	s0 =	sor.u32 s1, s0  }
0xbb: {  	s0 =	sadd.s32 $0x8F2B, s0  }
0xbc: {  	[sflag:s0] =	ssyncadd.remote.s32 $0x1  }
0xbd: {  	_ =	sfence.sel $0xFFFF  }
0xbe: {  	[dreg:$0x0] =	wrdreg $0xFFFFFFFF;
	(pc) =	sbr.abs _section_cstart, $3  }
0xbf: {  	[dreg:$0x1] =	wrdreg $0xFFFFFFFF  }
0xc0: {  	_ =	task.clear_ibuf [dreg:s6], $0x2FFFF;
	_ =	strace $0x9FFFFFFF  }
0xc1: {  	(tm) =	ssettm $0x7FFFFFFF  }
tec
execute0_lowered:
.L_overlay_start_1:
0x0: {  	(tag) =	ssettag $0x1  }
0x1: {  	s2 =	rddreg [dreg:$0x0]  }
0x2: {  	s0 =	rddreg [dreg:$0x1]  }
0x3: {  	s1 =	srdreg.scid;
	_ =	strace $0x80000047;
	s4 =	simm.s32 $0x1  }
0x4: {  	s9 =	simm.s32 $0x3;
	s12 =	simm.s32 $0x0;
	s5 =	sshll.u32 s1, $0x4  }
.Ltmp0:
0x5: {  	s1 =	stileid.u32;
	s5 =	sand.u32 $0x10, s5;
	(pc) =	sbr.rel .LBB2_1-.Ltmp0, $4  }
0x6: {  	s10 =	simm.s32 $0x0;
	s3 =	sadd.s32 $0x50800, s2;
	s6 =	sor.u32 s1, s5  }
0x7: {  	[sflag:s4] =	ssyncpa.u1 $0x0;
	s5 =	simm.s32 $0x2;
	s6 =	sshll.u32 s6, $0x7  }
0x8: {  	s7 =	sadd.s32 $0x98A00, s2;
	[sflag:s5] =	ssyncpa.u1 $0x0;
	s8 =	sadd.s32 $0x80, s6  }
0x9: {  	vm0 =	vmmov $0xff;
	vm1 =	vcmask $0x3F20;
	[sflag:s9] =	ssyncpa.u1 $0x0;
	s9 =	simm.s32 $0x80;
	s11 =	smov.u32 s6  }
.LBB2_9:
0xa: {  	p0 =	seq.s32 s10, $0x2  }
.Ltmp1:
0xb: {  	_ = 	snop;
	(pc) =	sbr.rel @p0 .LBB2_11-.Ltmp1, $1  }
0xc: {  	_ =	sdelay $0x3  }
.LBB2_10:
0xd: {  	s12 =	sadd.s32 $0x80, s11  }
0xe: {  	s13 =	smov.u32 s6;
	p0 =	slt.s32 s12, s8  }
0xf: {  	s13 =	smov.u32 @p0 s12  }
0x10: {  	s10 =	sadd.s32 $0x1, s10;
	s12 =	smov.u32 s11;
	s11 =	smov.u32 s13  }
.LBB2_1:
0x11: {  	p0 =	sne.s32 s10, $0x0  }
.Ltmp2:
0x12: {  	_ = 	snop;
	(pc) =	sbr.rel @!p0 .LBB2_2-.Ltmp2, $1  }
0x13: {  	_ =	sdelay $0x3  }
0x14: {  	s13 =	sand.u32 $0x1, s10  }
0x15: {  	p0 =	seq.s32 s13, $0x0  }
.Ltmp3:
0x16: {  	_ = 	snop;
	(pc) =	sbr.rel @p0 .LBB2_9-.Ltmp3, $1  }
0x17: {  	_ =	sdelay $0x3  }
0x18: {  	_ =	swait.ge [sflag:s5], $0x80  }
0x19: {  	[sflag:s5] =	ssyncset.done $0x0  }
0x1a: {  	s13 =	simm.s32 $0x0;
	[sflag:s5] =	ssyncadd.s32 $0xFFFFFF80  }
0x1b: {  	v0 =	vld.msk [tilespmem:s13+$0x80 ss:$0x1], $0xffff;
	_ =	sdelay $0x4  }
0x1c: {  	v1 =	vshll.u32 v0, $0x6  }
0x1d: {  	vm2 =	veq.s32 v0, $0x80000000;
	v0 =	vshll.u32 v0, $0x13;
	v1 =	vand.u32 $0x7FF80, v1  }
0x1e: {  	v0 =	vand.u32 $0x80000, v0;
	v1 =	vsel vm2, $0xFFFFFF80, v1  }
0x1f: {  	v0 =	vsel vm2, $0xFFF80000, v0;
	v2 =	vand.u32 $0xFFFFFC00, v1  }
0x20: {  	v1 =	vand.u32 $0x380, v1;
	v0 =	vadd.s32 v0, v2  }
0x21: {  	v0 =	vor.u32 v1, v0  }
0x22: {  	v0 =	vshrl.u32 v0, $0x3;
	_ =	sdelay $0x3  }
0x23: {  	s13 =	simm.s32 $0x4100  }
0x24: {  	[tilespmem:s13], [sflag:$0x1] =	stream.indirect_vreg.gather [hbm:s2], $0x80, v0, vm0, $0x38;
	[tilespmem:$0x8100] =	vst v63  }
0x25: {  	s14 =	simm.s32 $0x4500;
	s31 =	simm.s32 $0x10  }
0x26: {  	[tilespmem:s14], [sflag:$0x1] =	stream.indirect_vreg.gather [hbm:s2], $0x80, v0, vm1, $0x38;
	[tilespmem:$0x8100] =	vst v63  }
0x27: {  	s14 =	simm.s32 $0x80;
	v0 =	vld.msk [tilespmem:s31+$0x80 ss:$0x1], $0xffff  }
.LBB2_5:
0x28: {  	p0 =	sne.s32 s14, $0x1C0;
	_ =	sdelay $0x4  }
0x29: {  	v1 =	vshll.u32 v0, $0x6  }
0x2a: {  	vm2 =	veq.s32 v0, $0x80000000;
	v0 =	vshll.u32 v0, $0x13;
	v1 =	vand.u32 $0x7FF80, v1  }
0x2b: {  	v0 =	vand.u32 $0x80000, v0;
	v1 =	vsel vm2, $0xFFFFFF80, v1  }
0x2c: {  	v0 =	vsel vm2, $0xFFF80000, v0;
	v2 =	vand.u32 $0xFFFFFC00, v1  }
0x2d: {  	v1 =	vand.u32 $0x380, v1;
	v0 =	vadd.s32 v0, v2  }
0x2e: {  	v0 =	vor.u32 v1, v0  }
0x2f: {  	v0 =	vshrl.u32 v0, $0x3;
	_ =	sdelay $0x3  }
.Ltmp4:
0x30: {  	s13 =	sadd.s32 $0x800, s13;
	(pc) =	sbr.rel @p0 .LBB2_5-.Ltmp4, $4  }
0x31: {  	[tilespmem:s13], [sflag:$0x1] =	stream.indirect_vreg.gather [hbm:s2], $0x80, v0, vm0, $0x38;
	[tilespmem:$0x8100] =	vst v63  }
0x32: {  	s15 =	sshra.s32 s14, $0x2;
	s16 =	sadd.s32 $0x400, s13  }
0x33: {  	[tilespmem:s16], [sflag:$0x1] =	stream.indirect_vreg.gather [hbm:s2], $0x80, v0, vm1, $0x38;
	[tilespmem:$0x8100] =	vst v63  }
0x34: {  	s14 =	sadd.s32 $0x40, s14;
	v0 =	vld.msk [tilespmem:s15+$0x80 ss:$0x1], $0xffff  }
0x35: {  	_ =	sdelay $0x3  }
0x36: {  	v1 =	vshll.u32 v0, $0x6  }
0x37: {  	vm2 =	veq.s32 v0, $0x80000000;
	v63 =	vshll.u32 v0, $0x13;
	v1 =	vand.u32 $0x7FF80, v1  }
0x38: {  	v0 =	vand.u32 $0x80000, v63;
	v1 =	vsel vm2, $0xFFFFFF80, v1  }
0x39: {  	v0 =	vsel vm2, $0xFFF80000, v0;
	v2 =	vand.u32 $0xFFFFFC00, v1  }
0x3a: {  	v1 =	vand.u32 $0x380, v1;
	v0 =	vadd.s32 v0, v2  }
0x3b: {  	v0 =	vor.u32 v1, v0  }
0x3c: {  	v0 =	vshrl.u32 v0, $0x3;
	_ =	sdelay $0x3  }
0x3d: {  	s13 =	sadd.s32 $0x800, s13  }
0x3e: {  	[tilespmem:s13], [sflag:$0x1] =	stream.indirect_vreg.gather [hbm:s2], $0x80, v0, vm0, $0x38;
	[tilespmem:$0x8100] =	vst v63  }
0x3f: {  	s13 =	sadd.s32 $0x400, s13  }
0x40: {  	[tilespmem:s13], [sflag:$0x1] =	stream.indirect_vreg.gather [hbm:s2], $0x80, v0, vm1, $0x38;
	[tilespmem:$0x8100] =	vst v63  }
0x41: {  	s12 =	sshll.u32 s12, $0x4;
	s14 =	simm.s32 $0x80;
	_ =	swait.ge [sflag:s4], $0x4000  }
0x42: {  	s15 =	simm.s32 $0x4500;
	s12 =	sadd.s32 s12, s7;
	[sflag:s4] =	ssyncset.done $0x0  }
0x43: {  	s16 =	sadd.s32 $0x0, s12;
	s13 =	simm.s32 $0x4100;
	[sflag:s4] =	ssyncadd.s32 $0xFFFFC000  }
.LBB2_7:
0x44: {  	[hbm:s16] =	stream.linear.scatter [tilespmem:s13], [sflag:$0x3], $0x400, $0x38;
	[tilespmem:$0x8100] =	vst v63  }
0x45: {  	s16 =	smov.u32 s14;
	s13 =	smov.u32 s15;
	p0 =	sne.s32 s14, $0x780  }
.Ltmp5:
0x46: {  	s14 =	sadd.s32 $0x80, s14;
	(pc) =	sbr.rel @p0 .LBB2_7-.Ltmp5, $2  }
0x47: {  	_ =	sdelay $0x2  }
0x48: {  	s15 =	sadd.s32 $0x400, s15;
	s16 =	sadd.s32 s16, s12  }
.Ltmp6:
0x49: {  	(pc) =	sbr.rel .LBB2_9-.Ltmp6, $2  }
0x4a: {  	_ =	sdelay $0x2  }
0x4b: {  	[hbm:s16] =	stream.linear.scatter [tilespmem:s13], [sflag:$0x3], $0x400, $0x38;
	[tilespmem:$0x8100] =	vst v63  }
.LBB2_2:
.Ltmp7:
0x4c: {  	(pc) =	sbr.rel .LBB2_10-.Ltmp7, $4  }
0x4d: {  	_ = 	snop  }
0x4e: {  	s12 =	sshrl.u32 s11, $0x3  }
0x4f: {  	s13 =	sand.u32 $0x7, s11;
	s12 =	sadd.s32 s3, s12  }
0x50: {  	[tilespmem:s9], [sflag:$0x2] =	stream.linear.gather [hbm4b:s12+s13], $0x80, $0x38;
	[tilespmem:$0x8100] =	vst v63  }
.LBB2_11:
0x51: {  	s2 =	simm.s32 $0x3  }
0x52: {  	_ =	swait.ge [sflag:s2], $0x4000  }
0x53: {  	[sflag:s2] =	ssyncset.done $0x0  }
0x54: {  	[sflag:s2] =	ssyncadd.s32 $0xFFFFC000  }
0x55: {  	_ =	sfence.sel $0x180000  }
0x56: {  	s3 =	simm.s32 $0x2;
	[bflag:$0x0] =	sbarrier.arrive $0xFFFF  }
0x57: {  	[sflag:s3] =	ssyncpa.u1 $0x1  }
0x58: {  	s31 =	simm.s32 $0x1;
	[sflag:s2] =	ssyncpa.u1 $0x1  }
0x59: {  	[sflag:s31] =	ssyncpa.u1 $0x1  }
0x5a: {  	p0 =	sne.s32 s1, $0x0;
	_ =	strace $0x90000047  }
0x5b: {  	s0 =	sadd.s32 @!p0 $0x100000, s0;
	[bflag:$0x2] =	sbarrier.arrive $0xFFFF  }
0x5c: {  	[sflag:s0] =	ssyncadd.tile.s32 @!p0 $0x1;
	_ =	shalt  }
.Lfunc_end2:
_tile_overlayer_lowered:
.L_overlay_start_2:
0x5d: {  	(tag) =	ssettag $0x2  }
0x5e: {  	s0 =	rddreg [dreg:$0x0];
	s2 =	stileid.u32  }
0x5f: {  	s1 =	rddreg [dreg:$0x1];
	p0 =	sne.s32 s2, $0x0  }
0x60: {  	s3 =	rddreg [dreg:$0x2];
	[bflag:$0x3] =	sbarrier.arrive $0xFFFF;
	s2 =	simm.s32 @!p0 $0x1C01  }
0x61: {  	[timem:s3], [sflag:s2] =	dma.local @!p0 [hbm:s0], s1  }
0x62: {  	s0 =	simm.s32 @!p0 $0x1  }
0x63: {  	_ =	swait.ge @!p0 [sflag:s0], s1  }
0x64: {  	s1 =	ssub.s32 @!p0 $0x0, s1;
	[sflag:s0] =	ssyncset.done @!p0 $0x0  }
0x65: {  	[sflag:s0] =	ssyncadd.s32 @!p0 s1  }
0x66: {  	[bflag:$0x3] =	sbarrier.arrive $0xFFFF  }
0x67: {  	_ =	shalt  }

// kernel: gather_offload_async_start
scs
__scs_entry_jumppad:
0x0: {  	(pc) =	sbr.rel $0x88, $3  }
0x1: {  	(tag) =	ssettag $0x0;
	lr =	simm.s32 $0x1  }
0x2: {  	[smem:$0x3F45] =	sst lr;
	_ =	strace $0xD0000000  }
0x3: {  	_ = 	snop  }
0x4: {  	_ = 	snop  }
0x5: {  	_ = 	snop  }
0x6: {  	_ = 	snop  }
0x7: {  	_ = 	snop  }
__scs_overlays_trampoline_lowered:
0x8: {  	[smem:$0x3F54] =	sst s0  }
0x9: {  	[smem:$0x3F55] =	sst s1  }
0xa: {  	[smem:$0x3F56] =	sst s2  }
0xb: {  	[smem:$0x3F57] =	sst s3  }
0xc: {  	[smem:$0x3F58] =	sst s4  }
0xd: {  	[smem:$0x3F59] =	sst s5  }
0xe: {  	[smem:$0x3F5A] =	sst s6  }
0xf: {  	[smem:$0x3F5B] =	sst s7  }
0x10: {  	[smem:$0x3F5C] =	sst s8  }
0x11: {  	[smem:$0x3F5D] =	sst s9;
	s0 =	simm.s32 @!p0 $0x0  }
0x12: {  	s1 =	sld [smem:$0x3F43];
	s0 =	simm.s32 @p0 $0x1  }
0x13: {  	[smem:$0x3F5E] =	sst s0;
	s0 =	simm.s32 @!p1 $0x0  }
0x14: {  	s2 =	sld [smem:$0x3F42];
	s0 =	simm.s32 @p1 $0x1  }
0x15: {  	[smem:$0x3F5F] =	sst s0;
	s0 =	simm.s32 @!p2 $0x0  }
0x16: {  	s3 =	sld [smem:$0x3FDB];
	s0 =	simm.s32 @p2 $0x1  }
0x17: {  	s4 =	simm.s32 $0x1BF5;
	[smem:$0x3F61] =	sst s0  }
0x18: {  	s0 =	sld [smem:$0x3F44];
	_ =	swait.ge [sflag:s4], $0x0  }
0x19: {  	s7 =	sld [smem:$0x3F45]  }
0x1a: {  	s8 =	sadd.s32 $0xFFFFE003, lr  }
0x1b: {  	s9 =	sadd.s32 $0xFFFFFEF7, lr;
	s5 =	simm.s32 $0xFFFFFFFF;
	p2 =	slt.u32 s8, $0xFFFFF086  }
0x1c: {  	p1 =	slt.u32 s9, $0xF7A;
	s5 =	simm.s32 @!p2 $0x0  }
0x1d: {  	s5 =	simm.s32 @p1 $0x1;
	p0 =	seq.s32 s7, s2  }
0x1e: {  	s7 =	smul.u32 @!p0 $0xF7A, s2;
	p2 =	seq.s32 @!p0 s5, $0x0  }
0x1f: {  	s9 =	smul.u32 $0xF7A, s1;
	s8 =	simm.s32 @!p0 $0x1BF5;
	p2 =	por !p2, p0  }
0x20: {  	[sflag:s8] =	ssyncset.s32 @!p0 $0xFFFFF086;
	s6 =	sadd.s32 @!p0 s3, s7;
	s7 =	simm.s32 @!p0 $0x108  }
0x21: {  	s3 =	sadd.s32 s3, s9;
	s6 =	sadd.s32 @!p0 $0x88, s6;
	s7 =	simm.s32 @p2 $0x1082  }
0x22: {  	[simem:s7], [sflag:s8] =	dma.local @!p0 [hbm:s6], $0xF7A  }
0x23: {  	s9 =	sor.u32 $0xD0000000, s2;
	s6 =	simm.s32 $0x108;
	_ =	swait.ge @!p0 [sflag:s8], $0x0  }
0x24: {  	s3 =	sadd.s32 $0x88, s3;
	s6 =	simm.s32 @!p1 $0x1082;
	[sflag:s4] =	ssyncset.s32 $0xFFFFF086  }
0x25: {  	[simem:s6], [sflag:s4] =	dma.local [hbm:s3], $0xF7A  }
0x26: {  	[smem:$0x3F45] =	sst s1;
	(tag) =	ssettag s2;
	_ =	strace s9  }
0x27: {  	s1 =	sld [smem:$0x3F55]  }
0x28: {  	s2 =	sld [smem:$0x3F56]  }
0x29: {  	s4 =	sld [smem:$0x3F58]  }
0x2a: {  	p0 =	seq.s32 s5, $0x0;
	s5 =	sld [smem:$0x3F59]  }
0x2b: {  	s6 =	sld [smem:$0x3F5A]  }
0x2c: {  	s7 =	sld [smem:$0x3F5B]  }
0x2d: {  	s3 =	simm.s32 $0x108;
	s8 =	sld [smem:$0x3F5C]  }
0x2e: {  	s3 =	simm.s32 @!p0 $0x1082;
	s9 =	sld [smem:$0x3F5D]  }
0x2f: {  	lr =	sadd.s32 s0, s3;
	s0 =	sld [smem:$0x3F54]  }
0x30: {  	s3 =	sld [smem:$0x3F57]  }
0x31: {  	[smem:$0x3F60] =	sst s10  }
0x32: {  	s10 =	sld [smem:$0x3F5E];
	_ =	sdelay $0x3  }
0x33: {  	p0 =	seq.s32 s10, $0x1;
	s10 =	sld [smem:$0x3F60];
	_ =	sdelay $0x3  }
0x34: {  	[smem:$0x3F60] =	sst s10  }
0x35: {  	s10 =	sld [smem:$0x3F5F];
	_ =	sdelay $0x3  }
0x36: {  	p1 =	seq.s32 s10, $0x1;
	s10 =	sld [smem:$0x3F60];
	_ =	sdelay $0x3  }
0x37: {  	[smem:$0x3F60] =	sst s10  }
0x38: {  	s10 =	sld [smem:$0x3F61]  }
0x39: {  	_ = 	snop;
	(pc) =	sbr.ind lr, $3  }
0x3a: {  	_ = 	snop  }
0x3b: {  	_ = 	snop  }
0x3c: {  	p2 =	seq.s32 s10, $0x1;
	s10 =	sld [smem:$0x3F60]  }
0x3d: {  	_ =	shalt  }
0x3e: {  	_ =	shalt  }
0x3f: {  	_ =	shalt  }
0x40: {  	_ =	shalt  }
0x41: {  	_ =	shalt  }
0x42: {  	_ =	shalt  }
0x43: {  	_ =	shalt  }
0x44: {  	_ =	shalt  }
0x45: {  	_ =	shalt  }
0x46: {  	_ =	shalt  }
0x47: {  	_ =	shalt  }
0x48: {  	_ =	shalt  }
0x49: {  	_ =	shalt  }
0x4a: {  	_ =	shalt  }
0x4b: {  	_ =	shalt  }
0x4c: {  	_ =	shalt  }
0x4d: {  	_ =	shalt  }
0x4e: {  	_ =	shalt  }
0x4f: {  	_ =	shalt  }
0x50: {  	_ =	shalt  }
0x51: {  	_ =	shalt  }
0x52: {  	_ =	shalt  }
0x53: {  	_ =	shalt  }
0x54: {  	_ =	shalt  }
0x55: {  	_ =	shalt  }
0x56: {  	_ =	shalt  }
0x57: {  	_ =	shalt  }
0x58: {  	_ =	shalt  }
0x59: {  	_ =	shalt  }
0x5a: {  	_ =	shalt  }
0x5b: {  	_ =	shalt  }
0x5c: {  	_ =	shalt  }
0x5d: {  	_ =	shalt  }
0x5e: {  	_ =	shalt  }
0x5f: {  	_ =	shalt  }
0x60: {  	_ =	shalt  }
0x61: {  	_ =	shalt  }
0x62: {  	_ =	shalt  }
0x63: {  	_ =	shalt  }
0x64: {  	_ =	shalt  }
0x65: {  	_ =	shalt  }
0x66: {  	_ =	shalt  }
0x67: {  	_ =	shalt  }
0x68: {  	_ =	shalt  }
0x69: {  	_ =	shalt  }
0x6a: {  	_ =	shalt  }
0x6b: {  	_ =	shalt  }
0x6c: {  	_ =	shalt  }
0x6d: {  	_ =	shalt  }
0x6e: {  	_ =	shalt  }
0x6f: {  	_ =	shalt  }
0x70: {  	_ =	shalt  }
0x71: {  	_ =	shalt  }
0x72: {  	_ =	shalt  }
0x73: {  	_ =	shalt  }
0x74: {  	_ =	shalt  }
0x75: {  	_ =	shalt  }
0x76: {  	_ =	shalt  }
0x77: {  	_ =	shalt  }
0x78: {  	_ =	shalt  }
0x79: {  	_ =	shalt  }
0x7a: {  	_ =	shalt  }
0x7b: {  	_ =	shalt  }
0x7c: {  	_ =	shalt  }
0x7d: {  	_ =	shalt  }
0x7e: {  	_ =	shalt  }
0x7f: {  	_ =	shalt  }
0x80: {  	_ =	shalt  }
0x81: {  	_ =	shalt  }
0x82: {  	_ =	shalt  }
0x83: {  	_ =	shalt  }
0x84: {  	_ =	shalt  }
0x85: {  	_ =	shalt  }
0x86: {  	_ =	shalt  }
0x87: {  	_ =	shalt  }
.Lfunc_end0:
.L_simem_size_0:
called_computation_lowered:
.L_overlay_start_0:
0x88: {  	s2 =	sld [smem:$0x3FD9]  }
0x89: {  	s3 =	sld [smem:$0x3FFE];
	_ =	sdelay $0x1  }
0x8a: {  	s1 =	srdreg.scid  }
0x8b: {  	s0 =	sand.u32 $0x1, s1  }
0x8c: {  	s17 =	sshll.u32 s0, $0xA;
	s2 =	sadd.s32 s3, s2  }
0x8d: {  	s2 =	sadd.s32 s2, s17  }
0x8e: {  	[smem:$0x3F6C] =	sst s2  }
0x8f: {  	_ = 	snop  }
0x90: {  	(tm) =	ssettm $0x1  }
0x91: {  	s18 =	sld [smem:$0x3FFB];
	_ =	sdelay $0x3  }
0x92: {  	_ =	strace s18  }
0x93: {  	s2 =	sld [smem:$0x3FFC];
	_ =	sdelay $0x3  }
0x94: {  	_ =	strace s2  }
0x95: {  	s2 =	sld [smem:$0x3FFD];
	_ =	sdelay $0x3  }
0x96: {  	_ =	strace s2  }
0x97: {  	_ =	strace $0x8FFFFFFF  }
0x98: {  	s19 =	sld [smem:$0x3FDB];
	_ =	sdelay $0x1  }
0x99: {  	s20 =	simm.s32 $_scs_section_size  }
0x9a: {  	s4 =	simm.s32 $_size__tile_overlayer_lowered;
	s5 =	simm.s32 $_tile_overlayer_lowered  }
0x9b: {  	s6 =	simm.s32 $0x1BFF;
	s21 =	sshll.u32 s5, $0x1;
	s3 =	sadd.s32 s20, s19  }
0x9c: {  	s22 =	simm.s32 $0x0;
	s4 =	sshll.u32 s4, $0x1;
	s5 =	sadd.s32 s21, s3  }
0x9d: {  	[timem:s22], [sflag:s6] =	dma.local [hbm:s5], s4  }
0x9e: {  	_ =	swait.ge [sflag:s6], s4  }
0x9f: {  	s4 =	ssub.s32 $0x0, s4;
	[sflag:s6] =	ssyncset.done $0x0  }
0xa0: {  	[sflag:s6] =	ssyncadd.s32 s4;
	_ =	sdelay $0x1  }
0xa1: {  	s23 =	simm.s32 $0x1B8B  }
0xa2: {  	_ =	swait.ge [sflag:s23], $0x1  }
0xa3: {  	[sflag:s23] =	ssyncset.done $0x0  }
0xa4: {  	[sflag:s23] =	ssyncadd.s32 $0xFFFFFFFF  }
0xa5: {  	s4 =	sld [smem:$0x0]  }
0xa6: {  	s5 =	sand.u32 $0xFFFFFFFE, s1  }
0xa7: {  	p0 =	sne.s32 s1, s5  }
0xa8: {  	s5 =	sshll.u32 @p0 s5, $0xE  }
0xa9: {  	s5 =	sadd.s32 @p0 $0x11B8D, s5;
	s6 =	sshll.u32 @p0 s4, $0x11  }
0xaa: {  	s5 =	sor.u32 @p0 s6, s5  }
0xab: {  	[sflag:s5] =	ssyncadd.remote.s32 @p0 $0x1;
	_ =	sdelay $0x1  }
0xac: {  	s5 =	simm.s32 @p0 $0x1B8D  }
0xad: {  	_ =	swait.eq @p0 [sflag:s5], $0x1  }
0xae: {  	[sflag:s5] =	ssyncadd.s32 @p0 $0xFFFFFFFF  }
0xaf: {  	s6 =	sshll.u32 @!p0 s1, $0xE  }
0xb0: {  	s6 =	sor.u32 @!p0 $0x4000, s6;
	s5 =	simm.s32 @!p0 $0x1B8D  }
0xb1: {  	s4 =	sshll.u32 @!p0 s4, $0x11;
	s6 =	sadd.s32 @!p0 $0x11B8D, s6;
	_ =	swait.eq @!p0 [sflag:s5], $0x1  }
0xb2: {  	s4 =	sor.u32 @!p0 s4, s6;
	[sflag:s5] =	ssyncadd.s32 @!p0 $0xFFFFFFFF  }
0xb3: {  	s25 =	simm.s32 $0x1B8E;
	s24 =	sld [smem:$0x3FFE];
	[sflag:s4] =	ssyncadd.remote.s32 @!p0 $0x1  }
0xb4: {  	s26 =	simm.s32 $execute0_lowered;
	[smem:$0x3FD2] =	sst s25  }
0xb5: {  	s5 =	sshll.u32 s26, $0x1;
	_ =	strace $0x80000049;
	[dreg:$0x1] =	wrdreg $0xFFFFFFFF  }
0xb6: {  	s28 =	simm.s32 $_size_execute0_lowered;
	s3 =	sadd.s32 s3, s5;
	[dreg:$0x0] =	wrdreg $0x0  }
0xb7: {  	s5 =	sshll.u32 s28, $0x1;
	[dreg:$0x2] =	wrdreg s3  }
0xb8: {  	[dreg:$0x3] =	wrdreg s5  }
0xb9: {  	[dreg:$0x4] =	wrdreg $0xC0  }
0xba: {  	_ =	task [dreg:s22], $0x5FFFF  }
0xbb: {  	[dreg:$0x1] =	wrdreg $0xFFFFFFFF  }
0xbc: {  	[dreg:$0x0] =	wrdreg $0x60  }
0xbd: {  	[dreg:$0x2] =	wrdreg s24  }
0xbe: {  	[dreg:$0x3] =	wrdreg $0x9  }
0xbf: {  	_ =	task.clear_ibuf [dreg:s22], $0x4FFFF;
	_ =	strace $0x90000049  }
0xc0: {  	s29 =	simm.s32 $0x9;
	_ =	strace $0x8000004B  }
0xc1: {  	_ =	swait.ge [sflag:s29], $0x1  }
0xc2: {  	[sflag:s29] =	ssyncadd.s32 $0xFFFFFFFF  }
0xc3: {  	_ =	strace $0x9000004B  }
0xc4: {  	_ =	sfence  }
0xc5: {  	s30 =	sld [smem:$0x0];
	_ =	sdelay $0x2  }
0xc6: {  	s31 =	sshll.u32 s1, $0xD;
	s1 =	sshrl.u32 s1, $0x2  }
0xc7: {  	s4 =	sand.u32 $0x4000, s31;
	s1 =	sadd.s32 s1, s30  }
0xc8: {  	s0 =	sor.u32 s4, s0;
	s1 =	sshll.u32 s1, $0x11  }
0xc9: {  	s0 =	sor.u32 s1, s0  }
0xca: {  	s0 =	sadd.s32 $0x8F2B, s0  }
0xcb: {  	[sflag:s0] =	ssyncadd.remote.s32 $0x1  }
0xcc: {  	_ =	sfence.sel $0xFFFF  }
0xcd: {  	[dreg:$0x0] =	wrdreg $0xFFFFFFFF;
	(pc) =	sbr.abs _section_cstart, $3  }
0xce: {  	[dreg:$0x1] =	wrdreg $0xFFFFFFFF  }
0xcf: {  	_ =	task.clear_ibuf [dreg:s22], $0x2FFFF;
	_ =	strace $0x9FFFFFFF  }
0xd0: {  	(tm) =	ssettm $0x7FFFFFFF  }
0xd1: {  	_ =	shalt  }
tec
execute0_lowered:
.L_overlay_start_1:
0x0: {  	(tag) =	ssettag $0x1  }
0x1: {  	s7 =	rddreg [dreg:$0x0]  }
0x2: {  	s0 =	rddreg [dreg:$0x1];
	_ =	strace $0x8000004A  }
0x3: {  	s1 =	srdreg.scid;
	s4 =	simm.s32 $0x1;
	s9 =	simm.s32 $0x3  }
0x4: {  	s12 =	simm.s32 $0x0;
	s10 =	simm.s32 $0x0;
	s5 =	sshll.u32 s1, $0x4  }
.Ltmp0:
0x5: {  	s1 =	stileid.u32;
	s5 =	sand.u32 $0x10, s5;
	(pc) =	sbr.rel .LBB2_1-.Ltmp0, $4  }
0x6: {  	s2 =	sadd.s32 $0x20400, s7;
	s3 =	sadd.s32 $0xA8A00, s7;
	s6 =	sor.u32 s1, s5  }
0x7: {  	[sflag:s4] =	ssyncpa.u1 $0x0;
	s5 =	simm.s32 $0x2;
	s6 =	sshll.u32 s6, $0x7  }
0x8: {  	s7 =	sadd.s32 $0xA8C00, s7;
	[sflag:s5] =	ssyncpa.u1 $0x0;
	s8 =	sadd.s32 $0x80, s6  }
0x9: {  	vm0 =	vmmov $0xff;
	vm1 =	vcmask $0x3F20;
	[sflag:s9] =	ssyncpa.u1 $0x0;
	s9 =	simm.s32 $0x80;
	s11 =	smov.u32 s6  }
.LBB2_9:
0xa: {  	p0 =	seq.s32 s10, $0x2  }
.Ltmp1:
0xb: {  	_ = 	snop;
	(pc) =	sbr.rel @p0 .LBB2_11-.Ltmp1, $1  }
0xc: {  	_ =	sdelay $0x3  }
.LBB2_10:
0xd: {  	s12 =	sadd.s32 $0x80, s11  }
0xe: {  	s13 =	smov.u32 s6;
	p0 =	slt.s32 s12, s8  }
0xf: {  	s13 =	smov.u32 @p0 s12  }
0x10: {  	s10 =	sadd.s32 $0x1, s10;
	s12 =	smov.u32 s11;
	s11 =	smov.u32 s13  }
.LBB2_1:
0x11: {  	p0 =	sne.s32 s10, $0x0  }
.Ltmp2:
0x12: {  	_ = 	snop;
	(pc) =	sbr.rel @!p0 .LBB2_2-.Ltmp2, $1  }
0x13: {  	_ =	sdelay $0x3  }
0x14: {  	s13 =	sand.u32 $0x1, s10  }
0x15: {  	p0 =	seq.s32 s13, $0x0  }
.Ltmp3:
0x16: {  	_ = 	snop;
	(pc) =	sbr.rel @p0 .LBB2_9-.Ltmp3, $1  }
0x17: {  	_ =	sdelay $0x3  }
0x18: {  	_ =	swait.ge [sflag:s5], $0x80  }
0x19: {  	[sflag:s5] =	ssyncset.done $0x0  }
0x1a: {  	s13 =	simm.s32 $0x0;
	[sflag:s5] =	ssyncadd.s32 $0xFFFFFF80  }
0x1b: {  	v0 =	vld.msk [tilespmem:s13+$0x80 ss:$0x1], $0xffff;
	_ =	sdelay $0x4  }
0x1c: {  	v1 =	vshll.u32 v0, $0x6  }
0x1d: {  	vm2 =	veq.s32 v0, $0x80000000;
	v0 =	vshll.u32 v0, $0x13;
	v1 =	vand.u32 $0x7FF80, v1  }
0x1e: {  	v0 =	vand.u32 $0x80000, v0;
	v1 =	vsel vm2, $0xFFFFFF80, v1  }
0x1f: {  	v0 =	vsel vm2, $0xFFF80000, v0;
	v2 =	vand.u32 $0xFFFFFC00, v1  }
0x20: {  	v1 =	vand.u32 $0x380, v1;
	v0 =	vadd.s32 v0, v2  }
0x21: {  	v0 =	vor.u32 v1, v0  }
0x22: {  	v0 =	vshrl.u32 v0, $0x3;
	_ =	sdelay $0x3  }
0x23: {  	s13 =	simm.s32 $0x4100  }
0x24: {  	[tilespmem:s13], [sflag:$0x1] =	stream.indirect_vreg.gather [hbm:s2], $0x80, v0, vm0, $0x38;
	[tilespmem:$0x8100] =	vst v63  }
0x25: {  	s14 =	simm.s32 $0x4500;
	s31 =	simm.s32 $0x10  }
0x26: {  	[tilespmem:s14], [sflag:$0x1] =	stream.indirect_vreg.gather [hbm:s2], $0x80, v0, vm1, $0x38;
	[tilespmem:$0x8100] =	vst v63  }
0x27: {  	s14 =	simm.s32 $0x80;
	v0 =	vld.msk [tilespmem:s31+$0x80 ss:$0x1], $0xffff  }
.LBB2_5:
0x28: {  	p0 =	sne.s32 s14, $0x1C0;
	_ =	sdelay $0x4  }
0x29: {  	v1 =	vshll.u32 v0, $0x6  }
0x2a: {  	vm2 =	veq.s32 v0, $0x80000000;
	v0 =	vshll.u32 v0, $0x13;
	v1 =	vand.u32 $0x7FF80, v1  }
0x2b: {  	v0 =	vand.u32 $0x80000, v0;
	v1 =	vsel vm2, $0xFFFFFF80, v1  }
0x2c: {  	v0 =	vsel vm2, $0xFFF80000, v0;
	v2 =	vand.u32 $0xFFFFFC00, v1  }
0x2d: {  	v1 =	vand.u32 $0x380, v1;
	v0 =	vadd.s32 v0, v2  }
0x2e: {  	v0 =	vor.u32 v1, v0  }
0x2f: {  	v0 =	vshrl.u32 v0, $0x3;
	_ =	sdelay $0x3  }
.Ltmp4:
0x30: {  	s13 =	sadd.s32 $0x800, s13;
	(pc) =	sbr.rel @p0 .LBB2_5-.Ltmp4, $4  }
0x31: {  	[tilespmem:s13], [sflag:$0x1] =	stream.indirect_vreg.gather [hbm:s2], $0x80, v0, vm0, $0x38;
	[tilespmem:$0x8100] =	vst v63  }
0x32: {  	s15 =	sshra.s32 s14, $0x2;
	s16 =	sadd.s32 $0x400, s13  }
0x33: {  	[tilespmem:s16], [sflag:$0x1] =	stream.indirect_vreg.gather [hbm:s2], $0x80, v0, vm1, $0x38;
	[tilespmem:$0x8100] =	vst v63  }
0x34: {  	s14 =	sadd.s32 $0x40, s14;
	v0 =	vld.msk [tilespmem:s15+$0x80 ss:$0x1], $0xffff  }
0x35: {  	_ =	sdelay $0x3  }
0x36: {  	v1 =	vshll.u32 v0, $0x6  }
0x37: {  	vm2 =	veq.s32 v0, $0x80000000;
	v63 =	vshll.u32 v0, $0x13;
	v1 =	vand.u32 $0x7FF80, v1  }
0x38: {  	v0 =	vand.u32 $0x80000, v63;
	v1 =	vsel vm2, $0xFFFFFF80, v1  }
0x39: {  	v0 =	vsel vm2, $0xFFF80000, v0;
	v2 =	vand.u32 $0xFFFFFC00, v1  }
0x3a: {  	v1 =	vand.u32 $0x380, v1;
	v0 =	vadd.s32 v0, v2  }
0x3b: {  	v0 =	vor.u32 v1, v0  }
0x3c: {  	v0 =	vshrl.u32 v0, $0x3;
	_ =	sdelay $0x3  }
0x3d: {  	s13 =	sadd.s32 $0x800, s13  }
0x3e: {  	[tilespmem:s13], [sflag:$0x1] =	stream.indirect_vreg.gather [hbm:s2], $0x80, v0, vm0, $0x38;
	[tilespmem:$0x8100] =	vst v63  }
0x3f: {  	s13 =	sadd.s32 $0x400, s13  }
0x40: {  	[tilespmem:s13], [sflag:$0x1] =	stream.indirect_vreg.gather [hbm:s2], $0x80, v0, vm1, $0x38;
	[tilespmem:$0x8100] =	vst v63  }
0x41: {  	s12 =	sshll.u32 s12, $0x4;
	s14 =	simm.s32 $0x80;
	_ =	swait.ge [sflag:s4], $0x4000  }
0x42: {  	s15 =	simm.s32 $0x4500;
	s12 =	sadd.s32 s12, s7;
	[sflag:s4] =	ssyncset.done $0x0  }
0x43: {  	s16 =	sadd.s32 $0x0, s12;
	s13 =	simm.s32 $0x4100;
	[sflag:s4] =	ssyncadd.s32 $0xFFFFC000  }
.LBB2_7:
0x44: {  	[hbm:s16] =	stream.linear.scatter [tilespmem:s13], [sflag:$0x3], $0x400, $0x38;
	[tilespmem:$0x8100] =	vst v63  }
0x45: {  	s16 =	smov.u32 s14;
	s13 =	smov.u32 s15;
	p0 =	sne.s32 s14, $0x780  }
.Ltmp5:
0x46: {  	s14 =	sadd.s32 $0x80, s14;
	(pc) =	sbr.rel @p0 .LBB2_7-.Ltmp5, $2  }
0x47: {  	_ =	sdelay $0x2  }
0x48: {  	s15 =	sadd.s32 $0x400, s15;
	s16 =	sadd.s32 s16, s12  }
.Ltmp6:
0x49: {  	(pc) =	sbr.rel .LBB2_9-.Ltmp6, $2  }
0x4a: {  	_ =	sdelay $0x2  }
0x4b: {  	[hbm:s16] =	stream.linear.scatter [tilespmem:s13], [sflag:$0x3], $0x400, $0x38;
	[tilespmem:$0x8100] =	vst v63  }
.LBB2_2:
.Ltmp7:
0x4c: {  	(pc) =	sbr.rel .LBB2_10-.Ltmp7, $4  }
0x4d: {  	_ = 	snop  }
0x4e: {  	s12 =	sshrl.u32 s11, $0x3  }
0x4f: {  	s13 =	sand.u32 $0x7, s11;
	s12 =	sadd.s32 s3, s12  }
0x50: {  	[tilespmem:s9], [sflag:$0x2] =	stream.linear.gather [hbm4b:s12+s13], $0x80, $0x38;
	[tilespmem:$0x8100] =	vst v63  }
.LBB2_11:
0x51: {  	s2 =	simm.s32 $0x3  }
0x52: {  	_ =	swait.ge [sflag:s2], $0x4000  }
0x53: {  	[sflag:s2] =	ssyncset.done $0x0  }
0x54: {  	[sflag:s2] =	ssyncadd.s32 $0xFFFFC000  }
0x55: {  	_ =	sfence.sel $0x180000  }
0x56: {  	s3 =	simm.s32 $0x2;
	[bflag:$0x0] =	sbarrier.arrive $0xFFFF  }
0x57: {  	[sflag:s3] =	ssyncpa.u1 $0x1  }
0x58: {  	s31 =	simm.s32 $0x1;
	[sflag:s2] =	ssyncpa.u1 $0x1  }
0x59: {  	[sflag:s31] =	ssyncpa.u1 $0x1  }
0x5a: {  	p0 =	sne.s32 s1, $0x0;
	_ =	strace $0x9000004A  }
0x5b: {  	s0 =	sadd.s32 @!p0 $0x100000, s0;
	[bflag:$0x2] =	sbarrier.arrive $0xFFFF  }
0x5c: {  	[sflag:s0] =	ssyncadd.tile.s32 @!p0 $0x1;
	_ =	shalt  }
.Lfunc_end2:
_tile_overlayer_lowered:
.L_overlay_start_2:
0x5d: {  	(tag) =	ssettag $0x2  }
0x5e: {  	s0 =	rddreg [dreg:$0x0];
	s2 =	stileid.u32  }
0x5f: {  	s1 =	rddreg [dreg:$0x1];
	p0 =	sne.s32 s2, $0x0  }
0x60: {  	s3 =	rddreg [dreg:$0x2];
	[bflag:$0x3] =	sbarrier.arrive $0xFFFF;
	s2 =	simm.s32 @!p0 $0x1C01  }
0x61: {  	[timem:s3], [sflag:s2] =	dma.local @!p0 [hbm:s0], s1  }
0x62: {  	s0 =	simm.s32 @!p0 $0x1  }
0x63: {  	_ =	swait.ge @!p0 [sflag:s0], s1  }
0x64: {  	s1 =	ssub.s32 @!p0 $0x0, s1;
	[sflag:s0] =	ssyncset.done @!p0 $0x0  }
0x65: {  	[sflag:s0] =	ssyncadd.s32 @!p0 s1  }
0x66: {  	[bflag:$0x3] =	sbarrier.arrive $0xFFFF  }
0x67: {  	_ =	shalt  }

</sc_bundles>
